<compile_context>
chip_gen: v7x
topology: tpu7x:2x2x1
jax: 0.10.2.dev20260603
libtpu: 0.0.44.dev20260713+nightly
codegen_flags: <defaults>
</compile_context>

<pallas_src>
import functools

import jax
import jax.numpy as jnp
from jax import lax
from jax.experimental import pallas as pl
from jax.experimental.pallas import tpu as pltpu
from jax.experimental.pallas import tpu_sc as plsc

N = 100000
D = 128
HALF = N // 2
NC = 2
NS = 16
NW = NC * NS
STRIDE = 1568
T = 224
NT = STRIDE // T
UNROLL = 4


_mesh = plsc.VectorSubcoreMesh(core_axis_name="c", subcore_axis_name="s")


@functools.partial(
    pl.kernel,
    out_type=jax.ShapeDtypeStruct((N,), jnp.float32),
    mesh=_mesh,
    scratch_types=[
        pltpu.VMEM((2 * T * D,), jnp.float32),
        pltpu.VMEM((2 * T * D,), jnp.float32),
        pltpu.VMEM((T,), jnp.float32),
        pltpu.VMEM((D,), jnp.float32),
        pltpu.VMEM((16,), jnp.float32),
        pltpu.SemaphoreType.DMA,
        pltpu.SemaphoreType.DMA,
    ],
    compiler_params=pltpu.CompilerParams(needs_layout_passes=False),
)
def _pairwise_dot(x_hbm, w_hbm, b_hbm, out_hbm, buf_a, buf_b, ybuf, wbuf, bbuf,
                  sem_a, sem_b):
    cid = lax.axis_index("c")
    sid = lax.axis_index("s")
    wid = sid * NC + cid
    base = jnp.minimum(wid * STRIDE, HALF - STRIDE)

    pltpu.sync_copy(w_hbm, wbuf)
    pltpu.sync_copy(b_hbm, bbuf.at[pl.ds(0, 1)])
    b0 = bbuf[pl.ds(0, 16)][0]
    lane = lax.iota(jnp.int32, 16)
    lane0 = lane == 0
    bfly = [lane ^ m for m in (8, 4, 2, 1)]
    wv = [wbuf[pl.ds(16 * j, 16)] for j in range(D // 16)]

    pltpu.async_copy(x_hbm.at[pl.ds(base * D, T * D)],
                     buf_a.at[pl.ds(0, T * D)], sem_a)
    pltpu.async_copy(x_hbm.at[pl.ds((HALF + base) * D, T * D)],
                     buf_b.at[pl.ds(0, T * D)], sem_b)

    def tile_body(t, carry):
        off = (t & 1) * (T * D)
        tb = base + t * T
        pltpu.make_async_copy(x_hbm.at[pl.ds(tb * D, T * D)],
                              buf_a.at[pl.ds(off, T * D)], sem_a).wait()
        pltpu.make_async_copy(x_hbm.at[pl.ds((HALF + tb) * D, T * D)],
                              buf_b.at[pl.ds(off, T * D)], sem_b).wait()

        @pl.when(t < NT - 1)
        def _prefetch():
            off2 = T * D - off
            tb2 = tb + T
            pltpu.async_copy(x_hbm.at[pl.ds(tb2 * D, T * D)],
                             buf_a.at[pl.ds(off2, T * D)], sem_a)
            pltpu.async_copy(x_hbm.at[pl.ds((HALF + tb2) * D, T * D)],
                             buf_b.at[pl.ds(off2, T * D)], sem_b)

        @plsc.parallel_loop(0, T, step=1, unroll=UNROLL)
        def _pairs(p):
            rowb = off + p * D
            acc = (buf_a[pl.ds(rowb, 16)] + buf_b[pl.ds(rowb, 16)]) * wv[0]
            for j in range(1, D // 16):
                acc = acc + ((buf_a[pl.ds(rowb + 16 * j, 16)]
                              + buf_b[pl.ds(rowb + 16 * j, 16)]) * wv[j])
            for idxv in bfly:
                acc = acc + acc.at[idxv].get(mode="promise_in_bounds")
            plsc.store_scatter(ybuf, [jnp.full((16,), p, jnp.int32)],
                               acc + b0, mask=lane0)
        pltpu.sync_copy(ybuf, out_hbm.at[pl.ds(tb, T)])
        pltpu.sync_copy(ybuf, out_hbm.at[pl.ds(HALF + tb, T)])
        return carry

    lax.fori_loop(0, NT, tile_body, 0)


def kernel(x, is_cleave, batch, W, b):
    del is_cleave, batch
    return _pairwise_dot(x.reshape(-1), W.reshape(-1), b)

# --- scband reference (transcript-rebuilt; emitter-appended) ---
"""Pipeline reference for scband-all-pair-wise-23313082483610 (READ-ONLY COPY).

The authoritative reference and input builder live on the scoring server;
editing this copy changes nothing except your own understanding.
"""

import jax, jax.numpy as jnp
import numpy as np

N = 100000
D = 128

def setup_inputs(seed: int = 0) -> dict:
    key = jax.random.key(seed)
    kx, kw = jax.random.split(key)
    x = jax.random.normal(kx, (N, D), dtype=jnp.float32)
    is_cleave = jnp.ones((N,), dtype=bool)
    batch = jnp.zeros((N,), dtype=jnp.int32)
    # mlp_depth=1 -> module is a single Linear(in_channels=128, num_target=1)
    W = jax.random.normal(kw, (1, D), dtype=jnp.float32) * (1.0 / np.sqrt(D))
    b = jnp.zeros((1,), dtype=jnp.float32)
    return {"x": x, "is_cleave": is_cleave, "batch": batch, "W": W, "b": b}

def _build_indices(is_cleave, batch):
    # Index structure is fixed by the static length: is_cleave is always all-True
    # and batch is always all-zero, so cleave_idx = arange(n), one graph,
    # num_per_graph = n // 2.
    n = is_cleave.shape[0]
    cleave_idx = jnp.arange(n, dtype=jnp.int32)
    half = n // 2
    first_row = jnp.arange(half, dtype=jnp.int32)
    # batch is identically zero; gathering it keeps the traced dependence
    # while adding an exact zero offset.
    second_row = first_row + half + jnp.take(batch, first_row)
    return cleave_idx, first_row, second_row

def reference(x, is_cleave, batch, W, b):
    cleave_idx, first_row, second_row = _build_indices(is_cleave, batch)
    # is_cleave is identically True; the where is an exact identity that keeps
    # the traced dependence on is_cleave.
    out = jnp.where(is_cleave[:, None], jnp.take(x, cleave_idx, axis=0), 0.0)
    # out[first_row], out[second_row] = (s, s) simultaneous pairwise sum assignment
    s = jnp.take(out, first_row, axis=0) + jnp.take(out, second_row, axis=0)
    out = out.at[first_row].set(s).at[second_row].set(s)
    # MLP with mlp_depth=1: single Linear(128 -> 1)
    out = out @ W.T + b
    return out.reshape(-1)

if __name__ == "__main__":
    import jax
    _d = setup_inputs()
    print(jax.jit(kernel)(*tuple(_d.values())))

</pallas_src>

<mosaic_0001>
#map = affine_map<(d0, d1) -> (0)>
module attributes {stable_mosaic.version = 14 : i64} {
  func.func @_pairwise_dot(%arg0: i32, %arg1: i32, %arg2: memref<12800000xf32, #tpu.memory_space<hbm>>, %arg3: memref<128xf32, #tpu.memory_space<hbm>>, %arg4: memref<1xf32, #tpu.memory_space<hbm>>, %arg5: memref<100000xf32, #tpu.memory_space<hbm>>, %arg6: memref<57344xf32, #tpu.memory_space<vmem>>, %arg7: memref<57344xf32, #tpu.memory_space<vmem>>, %arg8: memref<224xf32, #tpu.memory_space<vmem>>, %arg9: memref<128xf32, #tpu.memory_space<vmem>>, %arg10: memref<16xf32, #tpu.memory_space<vmem>>, %arg11: memref<!tpu.dma_semaphore, #tpu.memory_space<semaphore_mem>>, %arg12: memref<!tpu.dma_semaphore, #tpu.memory_space<semaphore_mem>>) attributes {dimension_semantics = [#tpu.dimension_semantics<core_parallel>, #tpu.dimension_semantics<subcore_parallel>], iteration_bounds = array<i64: 2, 16>, scalar_prefetch = 0 : i64, scratch_operands = 7 : i64, tpu.core_type = #tpu.core_type<sc_vector_subcore>, window_params = [{transform_indices = #map}, {transform_indices = #map}, {transform_indices = #map}, {transform_indices = #map}]} {
    %mul3A = arith.constant 2 : i32
    %mul3A_0 = arith.muli %arg1, %mul3A : i32
    %add3A = arith.addi %mul3A_0, %arg0 : i32
    %mul3A_1 = arith.constant 1568 : i32
    %mul3A_2 = arith.muli %add3A, %mul3A_1 : i32
    %min3A = arith.constant 48432 : i32
    %min3A_3 = arith.minsi %mul3A_2, %min3A : i32
    "tpu.region"() ({
      %run_scoped3A = tpu.sem_alloc : memref<!tpu.dma_semaphore, #tpu.memory_space<semaphore_mem>>
      tpu.enqueue_dma source(%arg3 : memref<128xf32, #tpu.memory_space<hbm>>) target(%arg9 : memref<128xf32, #tpu.memory_space<vmem>>) target_semaphore(%run_scoped3A : memref<!tpu.dma_semaphore, #tpu.memory_space<semaphore_mem>>)
      tpu.wait_dma2 semaphore(%run_scoped3A : memref<!tpu.dma_semaphore, #tpu.memory_space<semaphore_mem>>) src(%arg3 : memref<128xf32, #tpu.memory_space<hbm>>) dst(%arg9 : memref<128xf32, #tpu.memory_space<vmem>>)
      tpu.yield
    }) : () -> ()
    "tpu.region"() ({
      %run_scoped3A = tpu.sem_alloc : memref<!tpu.dma_semaphore, #tpu.memory_space<semaphore_mem>>
      %dma_start3A_56 = arith.constant 0 : i32
      %dma_start3A_57 = tpu.memref_slice %arg10[%dma_start3A_56] : memref<16xf32, #tpu.memory_space<vmem>> -> memref<1xf32, #tpu.memory_space<vmem>>
      %dma_start3A_58 = arith.constant 0 : i32
      %dma_start3A_59 = tpu.memref_slice %arg10[%dma_start3A_58] : memref<16xf32, #tpu.memory_space<vmem>> -> memref<1xf32, #tpu.memory_space<vmem>>
      tpu.enqueue_dma source(%arg4 : memref<1xf32, #tpu.memory_space<hbm>>) target(%dma_start3A_59 : memref<1xf32, #tpu.memory_space<vmem>>) target_semaphore(%run_scoped3A : memref<!tpu.dma_semaphore, #tpu.memory_space<semaphore_mem>>)
      %dma_wait3A = arith.constant 0 : i32
      %dma_wait3A_60 = tpu.memref_slice %arg10[%dma_wait3A] : memref<16xf32, #tpu.memory_space<vmem>> -> memref<1xf32, #tpu.memory_space<vmem>>
      %dma_wait3A_61 = arith.constant 0 : i32
      %dma_wait3A_62 = tpu.memref_slice %arg10[%dma_wait3A_61] : memref<16xf32, #tpu.memory_space<vmem>> -> memref<1xf32, #tpu.memory_space<vmem>>
      tpu.wait_dma2 semaphore(%run_scoped3A : memref<!tpu.dma_semaphore, #tpu.memory_space<semaphore_mem>>) src(%arg4 : memref<1xf32, #tpu.memory_space<hbm>>) dst(%dma_wait3A_62 : memref<1xf32, #tpu.memory_space<vmem>>)
      tpu.yield
    }) : () -> ()
    %get3A = arith.constant 0 : index
    %get3A_4 = tpu.vector_load %arg10[%get3A] {strides = array<i32>} : memref<16xf32, #tpu.memory_space<vmem>>, vector<16xf32>,
    %slice3A = vector.extract_strided_slice %get3A_4 {offsets = [0], sizes = [1], strides = [1]} : vector<16xf32> to vector<1xf32>
    %squeeze3A = vector.extract %slice3A[0] : f32 from vector<1xf32>
    %iota3A = tpu.iota {dimensions = array<i32: 0>} : vector<16xi32>
    %eq3A = arith.constant 0 : i32
    %eq3A_5 = vector.broadcast %eq3A : i32 to vector<16xi32>
    %eq3A_6 = arith.cmpi eq, %iota3A, %eq3A_5 : vector<16xi32>
    %xor3A = arith.constant 8 : i32
    %xor3A_7 = vector.broadcast %xor3A : i32 to vector<16xi32>
    %xor3A_8 = arith.xori %iota3A, %xor3A_7 : vector<16xi32>
    %xor3A_9 = arith.constant 4 : i32
    %xor3A_10 = vector.broadcast %xor3A_9 : i32 to vector<16xi32>
    %xor3A_11 = arith.xori %iota3A, %xor3A_10 : vector<16xi32>
    %xor3A_12 = arith.constant 2 : i32
    %xor3A_13 = vector.broadcast %xor3A_12 : i32 to vector<16xi32>
    %xor3A_14 = arith.xori %iota3A, %xor3A_13 : vector<16xi32>
    %xor3A_15 = arith.constant 1 : i32
    %xor3A_16 = vector.broadcast %xor3A_15 : i32 to vector<16xi32>
    %xor3A_17 = arith.xori %iota3A, %xor3A_16 : vector<16xi32>
    %get3A_18 = arith.constant 0 : index
    %get3A_19 = tpu.vector_load %arg9[%get3A_18] {strides = array<i32>} : memref<128xf32, #tpu.memory_space<vmem>>, vector<16xf32>,
    %get3A_20 = arith.constant 16 : index
    %get3A_21 = tpu.vector_load %arg9[%get3A_20] {strides = array<i32>} : memref<128xf32, #tpu.memory_space<vmem>>, vector<16xf32>,
    %get3A_22 = arith.constant 32 : index
    %get3A_23 = tpu.vector_load %arg9[%get3A_22] {strides = array<i32>} : memref<128xf32, #tpu.memory_space<vmem>>, vector<16xf32>,
    %get3A_24 = arith.constant 48 : index
    %get3A_25 = tpu.vector_load %arg9[%get3A_24] {strides = array<i32>} : memref<128xf32, #tpu.memory_space<vmem>>, vector<16xf32>,
    %get3A_26 = arith.constant 64 : index
    %get3A_27 = tpu.vector_load %arg9[%get3A_26] {strides = array<i32>} : memref<128xf32, #tpu.memory_space<vmem>>, vector<16xf32>,
    %get3A_28 = arith.constant 80 : index
    %get3A_29 = tpu.vector_load %arg9[%get3A_28] {strides = array<i32>} : memref<128xf32, #tpu.memory_space<vmem>>, vector<16xf32>,
    %get3A_30 = arith.constant 96 : index
    %get3A_31 = tpu.vector_load %arg9[%get3A_30] {strides = array<i32>} : memref<128xf32, #tpu.memory_space<vmem>>, vector<16xf32>,
    %get3A_32 = arith.constant 112 : index
    %get3A_33 = tpu.vector_load %arg9[%get3A_32] {strides = array<i32>} : memref<128xf32, #tpu.memory_space<vmem>>, vector<16xf32>,
    %mul3A_34 = arith.constant 128 : i32
    %mul3A_35 = arith.muli %min3A_3, %mul3A_34 : i32
    %dma_start3A = arith.constant 0 : i32
    %dma_start3A_36 = tpu.memref_slice %arg6[%dma_start3A] : memref<57344xf32, #tpu.memory_space<vmem>> -> memref<28672xf32, #tpu.memory_space<vmem>>
    %dma_start3A_37 = tpu.memref_slice %arg2[%mul3A_35] : memref<12800000xf32, #tpu.memory_space<hbm>> -> memref<28672xf32, #tpu.memory_space<hbm>>
    %dma_start3A_38 = arith.constant 0 : i32
    %dma_start3A_39 = tpu.memref_slice %arg6[%dma_start3A_38] : memref<57344xf32, #tpu.memory_space<vmem>> -> memref<28672xf32, #tpu.memory_space<vmem>>
    %dma_start3A_40 = tpu.memref_slice %arg2[%mul3A_35] : memref<12800000xf32, #tpu.memory_space<hbm>> -> memref<28672xf32, #tpu.memory_space<hbm>>
    tpu.enqueue_dma source(%dma_start3A_40 : memref<28672xf32, #tpu.memory_space<hbm>>) target(%dma_start3A_39 : memref<28672xf32, #tpu.memory_space<vmem>>) target_semaphore(%arg11 : memref<!tpu.dma_semaphore, #tpu.memory_space<semaphore_mem>>)
    %add3A_41 = arith.constant 50000 : i32
    %add3A_42 = arith.addi %add3A_41, %min3A_3 : i32
    %mul3A_43 = arith.constant 128 : i32
    %mul3A_44 = arith.muli %add3A_42, %mul3A_43 : i32
    %dma_start3A_45 = arith.constant 0 : i32
    %dma_start3A_46 = tpu.memref_slice %arg7[%dma_start3A_45] : memref<57344xf32, #tpu.memory_space<vmem>> -> memref<28672xf32, #tpu.memory_space<vmem>>
    %dma_start3A_47 = tpu.memref_slice %arg2[%mul3A_44] : memref<12800000xf32, #tpu.memory_space<hbm>> -> memref<28672xf32, #tpu.memory_space<hbm>>
    %dma_start3A_48 = arith.constant 0 : i32
    %dma_start3A_49 = tpu.memref_slice %arg7[%dma_start3A_48] : memref<57344xf32, #tpu.memory_space<vmem>> -> memref<28672xf32, #tpu.memory_space<vmem>>
    %dma_start3A_50 = tpu.memref_slice %arg2[%mul3A_44] : memref<12800000xf32, #tpu.memory_space<hbm>> -> memref<28672xf32, #tpu.memory_space<hbm>>
    tpu.enqueue_dma source(%dma_start3A_50 : memref<28672xf32, #tpu.memory_space<hbm>>) target(%dma_start3A_49 : memref<28672xf32, #tpu.memory_space<vmem>>) target_semaphore(%arg12 : memref<!tpu.dma_semaphore, #tpu.memory_space<semaphore_mem>>)
    %scan3A = arith.constant 0 : i32
    %scan3A_51 = arith.constant 0 : i32
    %scan3A_52 = arith.constant 7 : i32
    %scan3A_53 = arith.addi %scan3A_51, %scan3A_52 : i32
    %scan3A_54 = arith.constant 1 : i32
    scf.for %scan3A_56 = %scan3A_51 to %scan3A_53 step %scan3A_54  : i32 {
      %and3A = arith.constant 1 : i32
      %and3A_57 = arith.andi %scan3A_56, %and3A : i32
      %mul3A_58 = arith.constant 28672 : i32
      %mul3A_59 = arith.muli %and3A_57, %mul3A_58 : i32
      %mul3A_60 = arith.constant 224 : i32
      %mul3A_61 = arith.muli %scan3A_56, %mul3A_60 : i32
      %add3A_62 = arith.addi %min3A_3, %mul3A_61 : i32
      %mul3A_63 = arith.constant 128 : i32
      %mul3A_64 = arith.muli %add3A_62, %mul3A_63 : i32
      %dma_wait3A = tpu.memref_slice %arg6[%mul3A_59] : memref<57344xf32, #tpu.memory_space<vmem>> -> memref<28672xf32, #tpu.memory_space<vmem>>
      %dma_wait3A_65 = tpu.memref_slice %arg2[%mul3A_64] : memref<12800000xf32, #tpu.memory_space<hbm>> -> memref<28672xf32, #tpu.memory_space<hbm>>
      %dma_wait3A_66 = tpu.memref_slice %arg6[%mul3A_59] : memref<57344xf32, #tpu.memory_space<vmem>> -> memref<28672xf32, #tpu.memory_space<vmem>>
      %dma_wait3A_67 = tpu.memref_slice %arg2[%mul3A_64] : memref<12800000xf32, #tpu.memory_space<hbm>> -> memref<28672xf32, #tpu.memory_space<hbm>>
      tpu.wait_dma2 semaphore(%arg11 : memref<!tpu.dma_semaphore, #tpu.memory_space<semaphore_mem>>) src(%dma_wait3A_67 : memref<28672xf32, #tpu.memory_space<hbm>>) dst(%dma_wait3A_66 : memref<28672xf32, #tpu.memory_space<vmem>>)
      %add3A_68 = arith.constant 50000 : i32
      %add3A_69 = arith.addi %add3A_68, %add3A_62 : i32
      %mul3A_70 = arith.constant 128 : i32
      %mul3A_71 = arith.muli %add3A_69, %mul3A_70 : i32
      %dma_wait3A_72 = tpu.memref_slice %arg7[%mul3A_59] : memref<57344xf32, #tpu.memory_space<vmem>> -> memref<28672xf32, #tpu.memory_space<vmem>>
      %dma_wait3A_73 = tpu.memref_slice %arg2[%mul3A_71] : memref<12800000xf32, #tpu.memory_space<hbm>> -> memref<28672xf32, #tpu.memory_space<hbm>>
      %dma_wait3A_74 = tpu.memref_slice %arg7[%mul3A_59] : memref<57344xf32, #tpu.memory_space<vmem>> -> memref<28672xf32, #tpu.memory_space<vmem>>
      %dma_wait3A_75 = tpu.memref_slice %arg2[%mul3A_71] : memref<12800000xf32, #tpu.memory_space<hbm>> -> memref<28672xf32, #tpu.memory_space<hbm>>
      tpu.wait_dma2 semaphore(%arg12 : memref<!tpu.dma_semaphore, #tpu.memory_space<semaphore_mem>>) src(%dma_wait3A_75 : memref<28672xf32, #tpu.memory_space<hbm>>) dst(%dma_wait3A_74 : memref<28672xf32, #tpu.memory_space<vmem>>)
      %lt3A = arith.constant 6 : i32
      %lt3A_76 = arith.cmpi slt, %scan3A_56, %lt3A : i32
      %convert_element_type3A = arith.extui %lt3A_76 : i1 to i32
      %cond3A = arith.constant 0 : i32
      %cond3A_77 = arith.cmpi ne, %convert_element_type3A, %cond3A : i32
      scf.if %cond3A_77 {
        %sub3A = arith.constant 28672 : i32
        %sub3A_82 = arith.subi %sub3A, %mul3A_59 : i32
        %add3A_83 = arith.constant 224 : i32
        %add3A_84 = arith.addi %add3A_62, %add3A_83 : i32
        %mul3A_85 = arith.constant 128 : i32
        %mul3A_86 = arith.muli %add3A_84, %mul3A_85 : i32
        %dma_start3A_87 = tpu.memref_slice %arg6[%sub3A_82] : memref<57344xf32, #tpu.memory_space<vmem>> -> memref<28672xf32, #tpu.memory_space<vmem>>
        %dma_start3A_88 = tpu.memref_slice %arg2[%mul3A_86] : memref<12800000xf32, #tpu.memory_space<hbm>> -> memref<28672xf32, #tpu.memory_space<hbm>>
        %dma_start3A_89 = tpu.memref_slice %arg6[%sub3A_82] : memref<57344xf32, #tpu.memory_space<vmem>> -> memref<28672xf32, #tpu.memory_space<vmem>>
        %dma_start3A_90 = tpu.memref_slice %arg2[%mul3A_86] : memref<12800000xf32, #tpu.memory_space<hbm>> -> memref<28672xf32, #tpu.memory_space<hbm>>
        tpu.enqueue_dma source(%dma_start3A_90 : memref<28672xf32, #tpu.memory_space<hbm>>) target(%dma_start3A_89 : memref<28672xf32, #tpu.memory_space<vmem>>) target_semaphore(%arg11 : memref<!tpu.dma_semaphore, #tpu.memory_space<semaphore_mem>>)
        %add3A_91 = arith.constant 50000 : i32
        %add3A_92 = arith.addi %add3A_91, %add3A_84 : i32
        %mul3A_93 = arith.constant 128 : i32
        %mul3A_94 = arith.muli %add3A_92, %mul3A_93 : i32
        %dma_start3A_95 = tpu.memref_slice %arg7[%sub3A_82] : memref<57344xf32, #tpu.memory_space<vmem>> -> memref<28672xf32, #tpu.memory_space<vmem>>
        %dma_start3A_96 = tpu.memref_slice %arg2[%mul3A_94] : memref<12800000xf32, #tpu.memory_space<hbm>> -> memref<28672xf32, #tpu.memory_space<hbm>>
        %dma_start3A_97 = tpu.memref_slice %arg7[%sub3A_82] : memref<57344xf32, #tpu.memory_space<vmem>> -> memref<28672xf32, #tpu.memory_space<vmem>>
        %dma_start3A_98 = tpu.memref_slice %arg2[%mul3A_94] : memref<12800000xf32, #tpu.memory_space<hbm>> -> memref<28672xf32, #tpu.memory_space<hbm>>
        tpu.enqueue_dma source(%dma_start3A_98 : memref<28672xf32, #tpu.memory_space<hbm>>) target(%dma_start3A_97 : memref<28672xf32, #tpu.memory_space<vmem>>) target_semaphore(%arg12 : memref<!tpu.dma_semaphore, #tpu.memory_space<semaphore_mem>>)
      } else {
      }
      %parallel_loop3A = arith.constant 0 : i32
      %parallel_loop3A_78 = arith.constant 224 : i32
      %parallel_loop3A_79 = arith.constant 1 : i32
      scf.for %parallel_loop3A_82 = %parallel_loop3A to %parallel_loop3A_78 step %parallel_loop3A_79  : i32 {
        %parallel_loop3A_83 = arith.constant 128 : i32
        %parallel_loop3A_84 = arith.muli %parallel_loop3A_82, %parallel_loop3A_83 : i32
        %parallel_loop3A_85 = arith.addi %mul3A_59, %parallel_loop3A_84 : i32
        %parallel_loop3A_86 = arith.index_cast %parallel_loop3A_85 : i32 to index
        %parallel_loop3A_87 = tpu.vector_load %arg6[%parallel_loop3A_86] {strides = array<i32>} : memref<57344xf32, #tpu.memory_space<vmem>>, vector<16xf32>,
        %parallel_loop3A_88 = arith.index_cast %parallel_loop3A_85 : i32 to index
        %parallel_loop3A_89 = tpu.vector_load %arg7[%parallel_loop3A_88] {strides = array<i32>} : memref<57344xf32, #tpu.memory_space<vmem>>, vector<16xf32>,
        %parallel_loop3A_90 = arith.addf %parallel_loop3A_87, %parallel_loop3A_89 : vector<16xf32>
        %parallel_loop3A_91 = arith.mulf %parallel_loop3A_90, %get3A_19 : vector<16xf32>
        %parallel_loop3A_92 = arith.constant 16 : i32
        %parallel_loop3A_93 = arith.addi %parallel_loop3A_85, %parallel_loop3A_92 : i32
        %parallel_loop3A_94 = arith.index_cast %parallel_loop3A_93 : i32 to index
        %parallel_loop3A_95 = tpu.vector_load %arg6[%parallel_loop3A_94] {strides = array<i32>} : memref<57344xf32, #tpu.memory_space<vmem>>, vector<16xf32>,
        %parallel_loop3A_96 = arith.constant 16 : i32
        %parallel_loop3A_97 = arith.addi %parallel_loop3A_85, %parallel_loop3A_96 : i32
        %parallel_loop3A_98 = arith.index_cast %parallel_loop3A_97 : i32 to index
        %parallel_loop3A_99 = tpu.vector_load %arg7[%parallel_loop3A_98] {strides = array<i32>} : memref<57344xf32, #tpu.memory_space<vmem>>, vector<16xf32>,
        %parallel_loop3A_100 = arith.addf %parallel_loop3A_95, %parallel_loop3A_99 : vector<16xf32>
        %parallel_loop3A_101 = arith.mulf %parallel_loop3A_100, %get3A_21 : vector<16xf32>
        %parallel_loop3A_102 = arith.addf %parallel_loop3A_91, %parallel_loop3A_101 : vector<16xf32>
        %parallel_loop3A_103 = arith.constant 32 : i32
        %parallel_loop3A_104 = arith.addi %parallel_loop3A_85, %parallel_loop3A_103 : i32
        %parallel_loop3A_105 = arith.index_cast %parallel_loop3A_104 : i32 to index
        %parallel_loop3A_106 = tpu.vector_load %arg6[%parallel_loop3A_105] {strides = array<i32>} : memref<57344xf32, #tpu.memory_space<vmem>>, vector<16xf32>,
        %parallel_loop3A_107 = arith.constant 32 : i32
        %parallel_loop3A_108 = arith.addi %parallel_loop3A_85, %parallel_loop3A_107 : i32
        %parallel_loop3A_109 = arith.index_cast %parallel_loop3A_108 : i32 to index
        %parallel_loop3A_110 = tpu.vector_load %arg7[%parallel_loop3A_109] {strides = array<i32>} : memref<57344xf32, #tpu.memory_space<vmem>>, vector<16xf32>,
        %parallel_loop3A_111 = arith.addf %parallel_loop3A_106, %parallel_loop3A_110 : vector<16xf32>
        %parallel_loop3A_112 = arith.mulf %parallel_loop3A_111, %get3A_23 : vector<16xf32>
        %parallel_loop3A_113 = arith.addf %parallel_loop3A_102, %parallel_loop3A_112 : vector<16xf32>
        %parallel_loop3A_114 = arith.constant 48 : i32
        %parallel_loop3A_115 = arith.addi %parallel_loop3A_85, %parallel_loop3A_114 : i32
        %parallel_loop3A_116 = arith.index_cast %parallel_loop3A_115 : i32 to index
        %parallel_loop3A_117 = tpu.vector_load %arg6[%parallel_loop3A_116] {strides = array<i32>} : memref<57344xf32, #tpu.memory_space<vmem>>, vector<16xf32>,
        %parallel_loop3A_118 = arith.constant 48 : i32
        %parallel_loop3A_119 = arith.addi %parallel_loop3A_85, %parallel_loop3A_118 : i32
        %parallel_loop3A_120 = arith.index_cast %parallel_loop3A_119 : i32 to index
        %parallel_loop3A_121 = tpu.vector_load %arg7[%parallel_loop3A_120] {strides = array<i32>} : memref<57344xf32, #tpu.memory_space<vmem>>, vector<16xf32>,
        %parallel_loop3A_122 = arith.addf %parallel_loop3A_117, %parallel_loop3A_121 : vector<16xf32>
        %parallel_loop3A_123 = arith.mulf %parallel_loop3A_122, %get3A_25 : vector<16xf32>
        %parallel_loop3A_124 = arith.addf %parallel_loop3A_113, %parallel_loop3A_123 : vector<16xf32>
        %parallel_loop3A_125 = arith.constant 64 : i32
        %parallel_loop3A_126 = arith.addi %parallel_loop3A_85, %parallel_loop3A_125 : i32
        %parallel_loop3A_127 = arith.index_cast %parallel_loop3A_126 : i32 to index
        %parallel_loop3A_128 = tpu.vector_load %arg6[%parallel_loop3A_127] {strides = array<i32>} : memref<57344xf32, #tpu.memory_space<vmem>>, vector<16xf32>,
        %parallel_loop3A_129 = arith.constant 64 : i32
        %parallel_loop3A_130 = arith.addi %parallel_loop3A_85, %parallel_loop3A_129 : i32
        %parallel_loop3A_131 = arith.index_cast %parallel_loop3A_130 : i32 to index
        %parallel_loop3A_132 = tpu.vector_load %arg7[%parallel_loop3A_131] {strides = array<i32>} : memref<57344xf32, #tpu.memory_space<vmem>>, vector<16xf32>,
        %parallel_loop3A_133 = arith.addf %parallel_loop3A_128, %parallel_loop3A_132 : vector<16xf32>
        %parallel_loop3A_134 = arith.mulf %parallel_loop3A_133, %get3A_27 : vector<16xf32>
        %parallel_loop3A_135 = arith.addf %parallel_loop3A_124, %parallel_loop3A_134 : vector<16xf32>
        %parallel_loop3A_136 = arith.constant 80 : i32
        %parallel_loop3A_137 = arith.addi %parallel_loop3A_85, %parallel_loop3A_136 : i32
        %parallel_loop3A_138 = arith.index_cast %parallel_loop3A_137 : i32 to index
        %parallel_loop3A_139 = tpu.vector_load %arg6[%parallel_loop3A_138] {strides = array<i32>} : memref<57344xf32, #tpu.memory_space<vmem>>, vector<16xf32>,
        %parallel_loop3A_140 = arith.constant 80 : i32
        %parallel_loop3A_141 = arith.addi %parallel_loop3A_85, %parallel_loop3A_140 : i32
        %parallel_loop3A_142 = arith.index_cast %parallel_loop3A_141 : i32 to index
        %parallel_loop3A_143 = tpu.vector_load %arg7[%parallel_loop3A_142] {strides = array<i32>} : memref<57344xf32, #tpu.memory_space<vmem>>, vector<16xf32>,
        %parallel_loop3A_144 = arith.addf %parallel_loop3A_139, %parallel_loop3A_143 : vector<16xf32>
        %parallel_loop3A_145 = arith.mulf %parallel_loop3A_144, %get3A_29 : vector<16xf32>
        %parallel_loop3A_146 = arith.addf %parallel_loop3A_135, %parallel_loop3A_145 : vector<16xf32>
        %parallel_loop3A_147 = arith.constant 96 : i32
        %parallel_loop3A_148 = arith.addi %parallel_loop3A_85, %parallel_loop3A_147 : i32
        %parallel_loop3A_149 = arith.index_cast %parallel_loop3A_148 : i32 to index
        %parallel_loop3A_150 = tpu.vector_load %arg6[%parallel_loop3A_149] {strides = array<i32>} : memref<57344xf32, #tpu.memory_space<vmem>>, vector<16xf32>,
        %parallel_loop3A_151 = arith.constant 96 : i32
        %parallel_loop3A_152 = arith.addi %parallel_loop3A_85, %parallel_loop3A_151 : i32
        %parallel_loop3A_153 = arith.index_cast %parallel_loop3A_152 : i32 to index
        %parallel_loop3A_154 = tpu.vector_load %arg7[%parallel_loop3A_153] {strides = array<i32>} : memref<57344xf32, #tpu.memory_space<vmem>>, vector<16xf32>,
        %parallel_loop3A_155 = arith.addf %parallel_loop3A_150, %parallel_loop3A_154 : vector<16xf32>
        %parallel_loop3A_156 = arith.mulf %parallel_loop3A_155, %get3A_31 : vector<16xf32>
        %parallel_loop3A_157 = arith.addf %parallel_loop3A_146, %parallel_loop3A_156 : vector<16xf32>
        %parallel_loop3A_158 = arith.constant 112 : i32
        %parallel_loop3A_159 = arith.addi %parallel_loop3A_85, %parallel_loop3A_158 : i32
        %parallel_loop3A_160 = arith.index_cast %parallel_loop3A_159 : i32 to index
        %parallel_loop3A_161 = tpu.vector_load %arg6[%parallel_loop3A_160] {strides = array<i32>} : memref<57344xf32, #tpu.memory_space<vmem>>, vector<16xf32>,
        %parallel_loop3A_162 = arith.constant 112 : i32
        %parallel_loop3A_163 = arith.addi %parallel_loop3A_85, %parallel_loop3A_162 : i32
        %parallel_loop3A_164 = arith.index_cast %parallel_loop3A_163 : i32 to index
        %parallel_loop3A_165 = tpu.vector_load %arg7[%parallel_loop3A_164] {strides = array<i32>} : memref<57344xf32, #tpu.memory_space<vmem>>, vector<16xf32>,
        %parallel_loop3A_166 = arith.addf %parallel_loop3A_161, %parallel_loop3A_165 : vector<16xf32>
        %parallel_loop3A_167 = arith.mulf %parallel_loop3A_166, %get3A_33 : vector<16xf32>
        %parallel_loop3A_168 = arith.addf %parallel_loop3A_157, %parallel_loop3A_167 : vector<16xf32>
        %parallel_loop3A_169 = arith.constant 0 : i32
        %parallel_loop3A_170 = vector.broadcast %parallel_loop3A_169 : i32 to vector<16xi32>
        %parallel_loop3A_171 = arith.cmpi slt, %xor3A_8, %parallel_loop3A_170 : vector<16xi32>
        %parallel_loop3A_172 = arith.constant 16 : i32
        %parallel_loop3A_173 = vector.broadcast %parallel_loop3A_172 : i32 to vector<16xi32>
        %parallel_loop3A_174 = arith.addi %xor3A_8, %parallel_loop3A_173 : vector<16xi32>
        %parallel_loop3A_175 = arith.select %parallel_loop3A_171, %parallel_loop3A_174, %xor3A_8 : vector<16xi1>, vector<16xi32>
        %parallel_loop3A_176 = vector.shape_cast %parallel_loop3A_175 : vector<16xi32> to vector<16x1xi32>
        %parallel_loop3A_177 = vector.shape_cast %parallel_loop3A_176 : vector<16x1xi32> to vector<16xi32>
        %parallel_loop3A_178 = tpu.dynamic_gather %parallel_loop3A_168[%parallel_loop3A_177] in [0] : vector<16xf32>, vector<16xi32> -> vector<16xf32>
        %parallel_loop3A_179 = arith.addf %parallel_loop3A_168, %parallel_loop3A_178 : vector<16xf32>
        %parallel_loop3A_180 = arith.constant 0 : i32
        %parallel_loop3A_181 = vector.broadcast %parallel_loop3A_180 : i32 to vector<16xi32>
        %parallel_loop3A_182 = arith.cmpi slt, %xor3A_11, %parallel_loop3A_181 : vector<16xi32>
        %parallel_loop3A_183 = arith.constant 16 : i32
        %parallel_loop3A_184 = vector.broadcast %parallel_loop3A_183 : i32 to vector<16xi32>
        %parallel_loop3A_185 = arith.addi %xor3A_11, %parallel_loop3A_184 : vector<16xi32>
        %parallel_loop3A_186 = arith.select %parallel_loop3A_182, %parallel_loop3A_185, %xor3A_11 : vector<16xi1>, vector<16xi32>
        %parallel_loop3A_187 = vector.shape_cast %parallel_loop3A_186 : vector<16xi32> to vector<16x1xi32>
        %parallel_loop3A_188 = vector.shape_cast %parallel_loop3A_187 : vector<16x1xi32> to vector<16xi32>
        %parallel_loop3A_189 = tpu.dynamic_gather %parallel_loop3A_179[%parallel_loop3A_188] in [0] : vector<16xf32>, vector<16xi32> -> vector<16xf32>
        %parallel_loop3A_190 = arith.addf %parallel_loop3A_179, %parallel_loop3A_189 : vector<16xf32>
        %parallel_loop3A_191 = arith.constant 0 : i32
        %parallel_loop3A_192 = vector.broadcast %parallel_loop3A_191 : i32 to vector<16xi32>
        %parallel_loop3A_193 = arith.cmpi slt, %xor3A_14, %parallel_loop3A_192 : vector<16xi32>
        %parallel_loop3A_194 = arith.constant 16 : i32
        %parallel_loop3A_195 = vector.broadcast %parallel_loop3A_194 : i32 to vector<16xi32>
        %parallel_loop3A_196 = arith.addi %xor3A_14, %parallel_loop3A_195 : vector<16xi32>
        %parallel_loop3A_197 = arith.select %parallel_loop3A_193, %parallel_loop3A_196, %xor3A_14 : vector<16xi1>, vector<16xi32>
        %parallel_loop3A_198 = vector.shape_cast %parallel_loop3A_197 : vector<16xi32> to vector<16x1xi32>
        %parallel_loop3A_199 = vector.shape_cast %parallel_loop3A_198 : vector<16x1xi32> to vector<16xi32>
        %parallel_loop3A_200 = tpu.dynamic_gather %parallel_loop3A_190[%parallel_loop3A_199] in [0] : vector<16xf32>, vector<16xi32> -> vector<16xf32>
        %parallel_loop3A_201 = arith.addf %parallel_loop3A_190, %parallel_loop3A_200 : vector<16xf32>
        %parallel_loop3A_202 = arith.constant 0 : i32
        %parallel_loop3A_203 = vector.broadcast %parallel_loop3A_202 : i32 to vector<16xi32>
        %parallel_loop3A_204 = arith.cmpi slt, %xor3A_17, %parallel_loop3A_203 : vector<16xi32>
        %parallel_loop3A_205 = arith.constant 16 : i32
        %parallel_loop3A_206 = vector.broadcast %parallel_loop3A_205 : i32 to vector<16xi32>
        %parallel_loop3A_207 = arith.addi %xor3A_17, %parallel_loop3A_206 : vector<16xi32>
        %parallel_loop3A_208 = arith.select %parallel_loop3A_204, %parallel_loop3A_207, %xor3A_17 : vector<16xi1>, vector<16xi32>
        %parallel_loop3A_209 = vector.shape_cast %parallel_loop3A_208 : vector<16xi32> to vector<16x1xi32>
        %parallel_loop3A_210 = vector.shape_cast %parallel_loop3A_209 : vector<16x1xi32> to vector<16xi32>
        %parallel_loop3A_211 = tpu.dynamic_gather %parallel_loop3A_201[%parallel_loop3A_210] in [0] : vector<16xf32>, vector<16xi32> -> vector<16xf32>
        %parallel_loop3A_212 = arith.addf %parallel_loop3A_201, %parallel_loop3A_211 : vector<16xf32>
        %parallel_loop3A_213 = vector.broadcast %parallel_loop3A_82 : i32 to vector<16xi32>
        %parallel_loop3A_214 = vector.broadcast %squeeze3A : f32 to vector<16xf32>
        %parallel_loop3A_215 = arith.addf %parallel_loop3A_212, %parallel_loop3A_214 : vector<16xf32>
        tpu.vector_store_idx %arg8[%parallel_loop3A_213], %parallel_loop3A_215 masked %eq3A_6 : memref<224xf32, #tpu.memory_space<vmem>>[vector<16xi32>], vector<16xf32>, vector<16xi1>
      } {sc.loop_unroll_factor = 4 : i64, sc.parallel_access}
      "tpu.region"() ({
        %run_scoped3A = tpu.sem_alloc : memref<!tpu.dma_semaphore, #tpu.memory_space<semaphore_mem>>
        %dma_start3A_82 = tpu.memref_slice %arg5[%add3A_62] : memref<100000xf32, #tpu.memory_space<hbm>> -> memref<224xf32, #tpu.memory_space<hbm>>
        %dma_start3A_83 = tpu.memref_slice %arg5[%add3A_62] : memref<100000xf32, #tpu.memory_space<hbm>> -> memref<224xf32, #tpu.memory_space<hbm>>
        tpu.enqueue_dma source(%arg8 : memref<224xf32, #tpu.memory_space<vmem>>) target(%dma_start3A_83 : memref<224xf32, #tpu.memory_space<hbm>>) target_semaphore(%run_scoped3A : memref<!tpu.dma_semaphore, #tpu.memory_space<semaphore_mem>>)
        %dma_wait3A_84 = tpu.memref_slice %arg5[%add3A_62] : memref<100000xf32, #tpu.memory_space<hbm>> -> memref<224xf32, #tpu.memory_space<hbm>>
        %dma_wait3A_85 = tpu.memref_slice %arg5[%add3A_62] : memref<100000xf32, #tpu.memory_space<hbm>> -> memref<224xf32, #tpu.memory_space<hbm>>
        tpu.wait_dma2 semaphore(%run_scoped3A : memref<!tpu.dma_semaphore, #tpu.memory_space<semaphore_mem>>) src(%arg8 : memref<224xf32, #tpu.memory_space<vmem>>) dst(%dma_wait3A_85 : memref<224xf32, #tpu.memory_space<hbm>>)
        tpu.yield
      }) : () -> ()
      %add3A_80 = arith.constant 50000 : i32
      %add3A_81 = arith.addi %add3A_80, %add3A_62 : i32
      "tpu.region"() ({
        %run_scoped3A = tpu.sem_alloc : memref<!tpu.dma_semaphore, #tpu.memory_space<semaphore_mem>>
        %dma_start3A_82 = tpu.memref_slice %arg5[%add3A_81] : memref<100000xf32, #tpu.memory_space<hbm>> -> memref<224xf32, #tpu.memory_space<hbm>>
        %dma_start3A_83 = tpu.memref_slice %arg5[%add3A_81] : memref<100000xf32, #tpu.memory_space<hbm>> -> memref<224xf32, #tpu.memory_space<hbm>>
        tpu.enqueue_dma source(%arg8 : memref<224xf32, #tpu.memory_space<vmem>>) target(%dma_start3A_83 : memref<224xf32, #tpu.memory_space<hbm>>) target_semaphore(%run_scoped3A : memref<!tpu.dma_semaphore, #tpu.memory_space<semaphore_mem>>)
        %dma_wait3A_84 = tpu.memref_slice %arg5[%add3A_81] : memref<100000xf32, #tpu.memory_space<hbm>> -> memref<224xf32, #tpu.memory_space<hbm>>
        %dma_wait3A_85 = tpu.memref_slice %arg5[%add3A_81] : memref<100000xf32, #tpu.memory_space<hbm>> -> memref<224xf32, #tpu.memory_space<hbm>>
        tpu.wait_dma2 semaphore(%run_scoped3A : memref<!tpu.dma_semaphore, #tpu.memory_space<semaphore_mem>>) src(%arg8 : memref<224xf32, #tpu.memory_space<vmem>>) dst(%dma_wait3A_85 : memref<224xf32, #tpu.memory_space<hbm>>)
        tpu.yield
      }) : () -> ()
    }
    %scan3A_55 = arith.constant 7 : i32
    return
  }
}

</mosaic_0001>

<sc_bundles>
// kernel: kernel.3.cloned.1.call-start
scs
__scs_entry_jumppad:
0x0: {  	(pc) =	sbr.rel $0x88, $3  }
0x1: {  	(tag) =	ssettag $0x0;
	lr =	simm.s32 $0x1  }
0x2: {  	[smem:$0x3F9E] =	sst lr;
	_ =	strace $0xD0000000  }
0x3: {  	_ = 	snop  }
0x4: {  	_ = 	snop  }
0x5: {  	_ = 	snop  }
0x6: {  	_ = 	snop  }
0x7: {  	_ = 	snop  }
__scs_overlays_trampoline_lowered:
0x8: {  	[smem:$0x3FAD] =	sst s0  }
0x9: {  	[smem:$0x3FAE] =	sst s1  }
0xa: {  	[smem:$0x3FAF] =	sst s2  }
0xb: {  	[smem:$0x3FB0] =	sst s3  }
0xc: {  	[smem:$0x3FB1] =	sst s4  }
0xd: {  	[smem:$0x3FB2] =	sst s5  }
0xe: {  	[smem:$0x3FB3] =	sst s6  }
0xf: {  	[smem:$0x3FB4] =	sst s7  }
0x10: {  	[smem:$0x3FB5] =	sst s8  }
0x11: {  	[smem:$0x3FB6] =	sst s9;
	s0 =	simm.s32 @!p0 $0x0  }
0x12: {  	s1 =	sld [smem:$0x3F9C];
	s0 =	simm.s32 @p0 $0x1  }
0x13: {  	[smem:$0x3FB7] =	sst s0;
	s0 =	simm.s32 @!p1 $0x0  }
0x14: {  	s2 =	sld [smem:$0x3F9B];
	s0 =	simm.s32 @p1 $0x1  }
0x15: {  	[smem:$0x3FB8] =	sst s0;
	s0 =	simm.s32 @!p2 $0x0  }
0x16: {  	s3 =	sld [smem:$0x3FDB];
	s0 =	simm.s32 @p2 $0x1  }
0x17: {  	s4 =	simm.s32 $0x1BF5;
	[smem:$0x3FBA] =	sst s0  }
0x18: {  	s0 =	sld [smem:$0x3F9D];
	_ =	swait.ge [sflag:s4], $0x0  }
0x19: {  	s7 =	sld [smem:$0x3F9E]  }
0x1a: {  	s8 =	sadd.s32 $0xFFFFE003, lr  }
0x1b: {  	s9 =	sadd.s32 $0xFFFFFEF7, lr;
	s5 =	simm.s32 $0xFFFFFFFF;
	p2 =	slt.u32 s8, $0xFFFFF086  }
0x1c: {  	p1 =	slt.u32 s9, $0xF7A;
	s5 =	simm.s32 @!p2 $0x0  }
0x1d: {  	s5 =	simm.s32 @p1 $0x1;
	p0 =	seq.s32 s7, s2  }
0x1e: {  	s7 =	smul.u32 @!p0 $0xF7A, s2;
	p2 =	seq.s32 @!p0 s5, $0x0  }
0x1f: {  	s9 =	smul.u32 $0xF7A, s1;
	s8 =	simm.s32 @!p0 $0x1BF5;
	p2 =	por !p2, p0  }
0x20: {  	[sflag:s8] =	ssyncset.s32 @!p0 $0xFFFFF086;
	s6 =	sadd.s32 @!p0 s3, s7;
	s7 =	simm.s32 @!p0 $0x108  }
0x21: {  	s3 =	sadd.s32 s3, s9;
	s6 =	sadd.s32 @!p0 $0x88, s6;
	s7 =	simm.s32 @p2 $0x1082  }
0x22: {  	[simem:s7], [sflag:s8] =	dma.local @!p0 [hbm:s6], $0xF7A  }
0x23: {  	s9 =	sor.u32 $0xD0000000, s2;
	s6 =	simm.s32 $0x108;
	_ =	swait.ge @!p0 [sflag:s8], $0x0  }
0x24: {  	s3 =	sadd.s32 $0x88, s3;
	s6 =	simm.s32 @!p1 $0x1082;
	[sflag:s4] =	ssyncset.s32 $0xFFFFF086  }
0x25: {  	[simem:s6], [sflag:s4] =	dma.local [hbm:s3], $0xF7A  }
0x26: {  	[smem:$0x3F9E] =	sst s1;
	(tag) =	ssettag s2;
	_ =	strace s9  }
0x27: {  	s1 =	sld [smem:$0x3FAE]  }
0x28: {  	s2 =	sld [smem:$0x3FAF]  }
0x29: {  	s4 =	sld [smem:$0x3FB1]  }
0x2a: {  	p0 =	seq.s32 s5, $0x0;
	s5 =	sld [smem:$0x3FB2]  }
0x2b: {  	s6 =	sld [smem:$0x3FB3]  }
0x2c: {  	s7 =	sld [smem:$0x3FB4]  }
0x2d: {  	s3 =	simm.s32 $0x108;
	s8 =	sld [smem:$0x3FB5]  }
0x2e: {  	s3 =	simm.s32 @!p0 $0x1082;
	s9 =	sld [smem:$0x3FB6]  }
0x2f: {  	lr =	sadd.s32 s0, s3;
	s0 =	sld [smem:$0x3FAD]  }
0x30: {  	s3 =	sld [smem:$0x3FB0]  }
0x31: {  	[smem:$0x3FB9] =	sst s10  }
0x32: {  	s10 =	sld [smem:$0x3FB7];
	_ =	sdelay $0x3  }
0x33: {  	p0 =	seq.s32 s10, $0x1;
	s10 =	sld [smem:$0x3FB9];
	_ =	sdelay $0x3  }
0x34: {  	[smem:$0x3FB9] =	sst s10  }
0x35: {  	s10 =	sld [smem:$0x3FB8];
	_ =	sdelay $0x3  }
0x36: {  	p1 =	seq.s32 s10, $0x1;
	s10 =	sld [smem:$0x3FB9];
	_ =	sdelay $0x3  }
0x37: {  	[smem:$0x3FB9] =	sst s10  }
0x38: {  	s10 =	sld [smem:$0x3FBA]  }
0x39: {  	_ = 	snop;
	(pc) =	sbr.ind lr, $3  }
0x3a: {  	_ = 	snop  }
0x3b: {  	_ = 	snop  }
0x3c: {  	p2 =	seq.s32 s10, $0x1;
	s10 =	sld [smem:$0x3FB9]  }
0x3d: {  	_ =	shalt  }
0x3e: {  	_ =	shalt  }
0x3f: {  	_ =	shalt  }
0x40: {  	_ =	shalt  }
0x41: {  	_ =	shalt  }
0x42: {  	_ =	shalt  }
0x43: {  	_ =	shalt  }
0x44: {  	_ =	shalt  }
0x45: {  	_ =	shalt  }
0x46: {  	_ =	shalt  }
0x47: {  	_ =	shalt  }
0x48: {  	_ =	shalt  }
0x49: {  	_ =	shalt  }
0x4a: {  	_ =	shalt  }
0x4b: {  	_ =	shalt  }
0x4c: {  	_ =	shalt  }
0x4d: {  	_ =	shalt  }
0x4e: {  	_ =	shalt  }
0x4f: {  	_ =	shalt  }
0x50: {  	_ =	shalt  }
0x51: {  	_ =	shalt  }
0x52: {  	_ =	shalt  }
0x53: {  	_ =	shalt  }
0x54: {  	_ =	shalt  }
0x55: {  	_ =	shalt  }
0x56: {  	_ =	shalt  }
0x57: {  	_ =	shalt  }
0x58: {  	_ =	shalt  }
0x59: {  	_ =	shalt  }
0x5a: {  	_ =	shalt  }
0x5b: {  	_ =	shalt  }
0x5c: {  	_ =	shalt  }
0x5d: {  	_ =	shalt  }
0x5e: {  	_ =	shalt  }
0x5f: {  	_ =	shalt  }
0x60: {  	_ =	shalt  }
0x61: {  	_ =	shalt  }
0x62: {  	_ =	shalt  }
0x63: {  	_ =	shalt  }
0x64: {  	_ =	shalt  }
0x65: {  	_ =	shalt  }
0x66: {  	_ =	shalt  }
0x67: {  	_ =	shalt  }
0x68: {  	_ =	shalt  }
0x69: {  	_ =	shalt  }
0x6a: {  	_ =	shalt  }
0x6b: {  	_ =	shalt  }
0x6c: {  	_ =	shalt  }
0x6d: {  	_ =	shalt  }
0x6e: {  	_ =	shalt  }
0x6f: {  	_ =	shalt  }
0x70: {  	_ =	shalt  }
0x71: {  	_ =	shalt  }
0x72: {  	_ =	shalt  }
0x73: {  	_ =	shalt  }
0x74: {  	_ =	shalt  }
0x75: {  	_ =	shalt  }
0x76: {  	_ =	shalt  }
0x77: {  	_ =	shalt  }
0x78: {  	_ =	shalt  }
0x79: {  	_ =	shalt  }
0x7a: {  	_ =	shalt  }
0x7b: {  	_ =	shalt  }
0x7c: {  	_ =	shalt  }
0x7d: {  	_ =	shalt  }
0x7e: {  	_ =	shalt  }
0x7f: {  	_ =	shalt  }
0x80: {  	_ =	shalt  }
0x81: {  	_ =	shalt  }
0x82: {  	_ =	shalt  }
0x83: {  	_ =	shalt  }
0x84: {  	_ =	shalt  }
0x85: {  	_ =	shalt  }
0x86: {  	_ =	shalt  }
0x87: {  	_ =	shalt  }
.Lfunc_end0:
.L_simem_size_0:
called_computation_lowered:
.L_overlay_start_0:
0x88: {  	s2 =	sld [smem:$0x3FD9]  }
0x89: {  	s3 =	sld [smem:$0x3FFE];
	_ =	sdelay $0x1  }
0x8a: {  	s1 =	srdreg.scid  }
0x8b: {  	s0 =	sand.u32 $0x1, s1  }
0x8c: {  	s18 =	sshll.u32 s0, $0xA;
	s2 =	sadd.s32 s3, s2  }
0x8d: {  	s2 =	sadd.s32 s2, s18  }
0x8e: {  	[smem:$0x3FC5] =	sst s2  }
0x8f: {  	_ = 	snop  }
0x90: {  	s2 =	sld [smem:$0x3FC9]  }
0x91: {  	s19 =	sld [smem:$0x3FC8]  }
0x92: {  	s4 =	sld [smem:$0x3FC7]  }
0x93: {  	s5 =	sld [smem:$0x3FD0];
	(tm) =	ssettm $0x1  }
0x94: {  	s6 =	sld [smem:$0x3FFB];
	_ =	sdelay $0x3  }
0x95: {  	_ =	strace s6  }
0x96: {  	s6 =	sld [smem:$0x3FFC];
	_ =	sdelay $0x3  }
0x97: {  	_ =	strace s6  }
0x98: {  	s6 =	sld [smem:$0x3FFD];
	_ =	sdelay $0x3  }
0x99: {  	_ =	strace s6  }
0x9a: {  	_ =	strace $0x8FFFFFFF  }
0x9b: {  	s20 =	sld [smem:$0x3FDB];
	_ =	sdelay $0x1  }
0x9c: {  	s7 =	simm.s32 $_scs_section_size  }
0x9d: {  	s8 =	simm.s32 $_size__tile_overlayer_lowered;
	s9 =	simm.s32 $_tile_overlayer_lowered  }
0x9e: {  	s23 =	simm.s32 $0x1BFF;
	s22 =	sshll.u32 s9, $0x1;
	s6 =	sadd.s32 s7, s20  }
0x9f: {  	s10 =	simm.s32 $0x0;
	s21 =	sshll.u32 s8, $0x1;
	s8 =	sadd.s32 s22, s6  }
0xa0: {  	[timem:s10], [sflag:s23] =	dma.local [hbm:s8], s21  }
0xa1: {  	_ =	swait.ge [sflag:s23], s21  }
0xa2: {  	s7 =	ssub.s32 $0x0, s21;
	[sflag:s23] =	ssyncset.done $0x0  }
0xa3: {  	[sflag:s23] =	ssyncadd.s32 s7;
	_ =	sdelay $0x1  }
0xa4: {  	s24 =	simm.s32 $0x1B8B  }
0xa5: {  	_ =	swait.ge [sflag:s24], $0x1  }
0xa6: {  	[sflag:s24] =	ssyncset.done $0x0  }
0xa7: {  	s25 =	simm.s32 $0x1B8E;
	[sflag:s24] =	ssyncadd.s32 $0xFFFFFFFF  }
0xa8: {  	s26 =	simm.s32 $execute0_lowered;
	[smem:$0x3FD2] =	sst s25  }
0xa9: {  	s7 =	sshll.u32 s26, $0x1;
	_ =	strace $0x80000046;
	[dreg:$0x1] =	wrdreg $0xFFFFFFFF  }
0xaa: {  	s28 =	simm.s32 $_size_execute0_lowered;
	s6 =	sadd.s32 s6, s7;
	[dreg:$0x0] =	wrdreg $0x0  }
0xab: {  	s7 =	sshll.u32 s28, $0x1;
	[dreg:$0x2] =	wrdreg s6  }
0xac: {  	[dreg:$0x3] =	wrdreg s7  }
0xad: {  	[dreg:$0x4] =	wrdreg $0xC0  }
0xae: {  	_ =	task [dreg:s10], $0x5FFFF  }
0xaf: {  	[dreg:$0x1] =	wrdreg $0xFFFFFFFF  }
0xb0: {  	[dreg:$0x0] =	wrdreg $0x60  }
0xb1: {  	[dreg:$0x2] =	wrdreg s2  }
0xb2: {  	[dreg:$0x3] =	wrdreg s19  }
0xb3: {  	[dreg:$0x4] =	wrdreg s4  }
0xb4: {  	[dreg:$0x5] =	wrdreg s5  }
0xb5: {  	[dreg:$0x6] =	wrdreg $0x9  }
0xb6: {  	_ =	task.clear_ibuf [dreg:s10], $0x7FFFF;
	_ =	strace $0x90000046  }
0xb7: {  	s29 =	simm.s32 $0x9;
	_ =	strace $0x80000048  }
0xb8: {  	_ =	swait.ge [sflag:s29], $0x1  }
0xb9: {  	[sflag:s29] =	ssyncadd.s32 $0xFFFFFFFF  }
0xba: {  	_ =	strace $0x90000048  }
0xbb: {  	_ =	sfence  }
0xbc: {  	s30 =	sld [smem:$0x0];
	_ =	sdelay $0x2  }
0xbd: {  	s31 =	sshll.u32 s1, $0xD;
	s1 =	sshrl.u32 s1, $0x2  }
0xbe: {  	s3 =	sand.u32 $0x4000, s31;
	s1 =	sadd.s32 s1, s30  }
0xbf: {  	s0 =	sor.u32 s3, s0;
	s1 =	sshll.u32 s1, $0x11  }
0xc0: {  	s0 =	sor.u32 s1, s0  }
0xc1: {  	s0 =	sadd.s32 $0x8F2B, s0  }
0xc2: {  	[sflag:s0] =	ssyncadd.remote.s32 $0x1  }
0xc3: {  	_ =	sfence.sel $0xFFFF  }
0xc4: {  	[dreg:$0x0] =	wrdreg $0xFFFFFFFF;
	(pc) =	sbr.abs _section_cstart, $3  }
0xc5: {  	[dreg:$0x1] =	wrdreg $0xFFFFFFFF  }
0xc6: {  	_ =	task.clear_ibuf [dreg:s10], $0x2FFFF;
	_ =	strace $0x9FFFFFFF  }
0xc7: {  	(tm) =	ssettm $0x7FFFFFFF  }
tec
execute0_lowered:
.L_overlay_start_1:
0x0: {  	(tag) =	ssettag $0x1  }
0x1: {  	v0 =	vimm.s32 $0xFEDCBA98;
	s10 =	rddreg [dreg:$0x0];
	v1 =	vimm.s32 $0x76543210  }
0x2: {  	s2 =	srdreg.scid;
	s1 =	rddreg [dreg:$0x1];
	v2 =	vimm.s32 $0xBA98FEDC;
	v3 =	vimm.s32 $0x32107654;
	v4 =	vimm.s32 $0xDCFE98BA  }
0x3: {  	s0 =	stileid.u32;
	s4 =	rddreg [dreg:$0x3];
	v5 =	vimm.s32 $0x54761032;
	v6 =	vimm.s32 $0xEFCDAB89;
	v7 =	vimm.s32 $0x67452301  }
0x4: {  	s5 =	simm.s32 $0x0;
	s12 =	simm.s32 $0x1C100;
	s13 =	simm.s32 $0x3;
	v0 =	vunpack.c.l.s4.s8 v0;
	v1 =	vunpack.c.l.s4.s8 v1;
	v2 =	vunpack.c.l.s4.s8 v2  }
0x5: {  	s14 =	simm.s32 $0x1C180;
	s6 =	sand.u32 $0x1, s2;
	s3 =	sshll.u32 s0, $0x1;
	v3 =	vunpack.c.l.s4.s8 v3;
	v4 =	vunpack.c.l.s4.s8 v4;
	v5 =	vunpack.c.l.s4.s8 v5  }
0x6: {  	s15 =	simm.s32 $0xE000;
	s16 =	simm.s32 $0x1;
	v6 =	vunpack.c.l.s4.s8 v6;
	v7 =	vunpack.c.l.s4.s8 v7;
	s3 =	sor.u32 s6, s3;
	v0 =	vunpack.c.0.s8.s32 v0  }
0x7: {  	s17 =	simm.s32 $0x2;
	s18 =	simm.s32 $0x1C000;
	s7 =	smul.u32 $0x620, s3;
	v2 =	vunpack.c.0.s8.s32 v2;
	v3 =	vunpack.c.0.s8.s32 v3;
	v4 =	vunpack.c.0.s8.s32 v4  }
0x8: {  	s19 =	simm.s32 $0x0;
	s2 =	rddreg [dreg:$0x2];
	s8 =	ssub.s32 $0x2, s6;
	v5 =	vunpack.c.0.s8.s32 v5;
	v6 =	vunpack.c.0.s8.s32 v6;
	v7 =	vunpack.c.0.s8.s32 v7  }
0x9: {  	[smem:$0x7FF] =	sst s5;
	s31 =	sshrl.u32 s8, $0x1;
	v1 =	vunpack.c.0.s8.s32 v1;
	s6 =	smin.u32 s7, $0xBD30;
	v2 =	vcombine.low v3, v2  }
0xa: {  	s3 =	rddreg [dreg:$0x4];
	s11 =	ssub.s32 s8, s31;
	v3 =	vcombine.low v5, v4;
	v4 =	vcombine.low v7, v6;
	v0 =	vand.u32 $0xF, v0;
	s9 =	sshll.u32 s6, $0x4  }
0xb: {  	_ =	strace $0x80000047;
	s11 =	smax.u32 s11, $0x1;
	v0 =	vcombine.low v0, v1;
	s7 =	sadd.s32 s10, s9  }
0xc: {  	s9 =	sadd.s32 $0xE00, s10;
	s10 =	sadd.s32 $0xC4300, s10;
	v1 =	vand.u32 $0xF, v2;
	v2 =	vand.u32 $0xF, v3;
	v3 =	vand.u32 $0xF, v4;
	s8 =	sadd.s32 $0xC3500, s7  }
.LBB2_1:
0xd: {  	[tilespmem:s12], [sflag:$0x3] =	stream.linear.gather [hbm4b:s1+s5], $0x80, $0x38;
	[tilespmem:$0x1C200] =	vst v63  }
0xe: {  	_ =	swait.ge [sflag:s13], $0x80  }
0xf: {  	[sflag:s13] =	ssyncset.done $0x0  }
0x10: {  	[sflag:s13] =	ssyncadd.s32 $0xFFFFFF80  }
0x11: {  	[tilespmem:s14], [sflag:$0x3] =	stream.linear.gather [hbm4b:s2+s5], $0x1, $0x38;
	[tilespmem:$0x1C200] =	vst v63  }
0x12: {  	_ =	swait.ge [sflag:s13], $0x1  }
0x13: {  	[sflag:s13] =	ssyncset.done $0x0  }
0x14: {  	[sflag:s13] =	ssyncadd.s32 $0xFFFFFFFF  }
0x15: {  	v4 =	vld [tilespmem:$0x1C100]  }
0x16: {  	v5 =	vld [tilespmem:$0x1C110]  }
0x17: {  	v6 =	vld [tilespmem:$0x1C120]  }
0x18: {  	v7 =	vld [tilespmem:$0x1C130]  }
0x19: {  	v8 =	vld [tilespmem:$0x1C140]  }
0x1a: {  	v9 =	vld [tilespmem:$0x1C150]  }
0x1b: {  	v11 =	vld [tilespmem:$0x1C170]  }
0x1c: {  	v10 =	vld [tilespmem:$0x1C160]  }
0x1d: {  	v12 =	vld.msk [tilespmem:$0x1C180 ss:$0x0], $0xffff;
	[tilespmem:s5], [sflag:$0x1] =	stream.linear.gather [hbm4b:s7+s5], $0x7000, $0x38  }
0x1e: {  	s20 =	simm.s32 $0x0  }
0x1f: {  	[tilespmem:s15], [sflag:$0x2] =	stream.linear.gather [hbm4b:s8+s5], $0x7000, $0x38;
	[tilespmem:$0x1C200] =	vst v63  }
.LBB2_2:
0x20: {  	_ =	swait.ge [sflag:s16], $0x7000;
	s21 =	sand.u32 $0x1, s20  }
0x21: {  	s22 =	smul.u32 $0xE0, s20;
	s24 =	simm.s32 $0x7000;
	[sflag:s16] =	ssyncset.done $0x0  }
0x22: {  	p1 =	seq.s32 s20, $0x6;
	p0 =	seq.s32 s21, $0x1;
	[sflag:s16] =	ssyncadd.s32 $0xFFFF9000  }
0x23: {  	s26 =	simm.s32 @!p1 $0x0;
	s21 =	sadd.s32 s6, s22;
	_ =	swait.ge [sflag:s17], $0x7000  }
0x24: {  	s24 =	simm.s32 @!p0 $0x0;
	s22 =	sshll.u32 @!p1 s21, $0x4;
	[sflag:s17] =	ssyncset.done $0x0  }
0x25: {  	s23 =	ssub.s32 @!p1 $0x7000, s24;
	s25 =	sadd.s32 @!p1 s22, s9;
	[sflag:s17] =	ssyncadd.s32 $0xFFFF9000  }
0x26: {  	[tilespmem:s23], [sflag:$0x1] =	stream.linear.gather @!p1 [hbm4b:s25+s26], $0x7000, $0x38;
	[tilespmem:$0x1C200] =	vst v63  }
0x27: {  	s29 =	sadd.s32 $0x100, s24;
	s22 =	sadd.s32 @!p1 s22, s10;
	s23 =	ssub.s32 @!p1 $0x15000, s24  }
0x28: {  	[tilespmem:s23], [sflag:$0x2] =	stream.linear.gather @!p1 [hbm4b:s22+s26], $0x7000, $0x38;
	[tilespmem:$0x1C200] =	vst v63  }
0x29: {  	s30 =	sadd.s32 $0xE100, s24;
	v13 =	vld [tilespmem:s29+$0x80]  }
0x2a: {  	v14 =	vld [tilespmem:s30+$0x80]  }
0x2b: {  	v15 =	vld [tilespmem:s29+$0x90]  }
0x2c: {  	v16 =	vld [tilespmem:s30+$0x90]  }
0x2d: {  	v17 =	vld [tilespmem:s29+$0xA0]  }
0x2e: {  	v18 =	vld [tilespmem:s30+$0xA0]  }
0x2f: {  	v19 =	vld [tilespmem:s29+$0xB0]  }
0x30: {  	v20 =	vld [tilespmem:s30+$0xB0]  }
0x31: {  	v21 =	vld [tilespmem:s29+$0xC0]  }
0x32: {  	v22 =	vld [tilespmem:s30+$0xC0]  }
0x33: {  	v23 =	vld [tilespmem:s29+$0xD0]  }
0x34: {  	v24 =	vld [tilespmem:s30+$0xD0]  }
0x35: {  	v25 =	vld [tilespmem:s29+$0xE0]  }
0x36: {  	v26 =	vld [tilespmem:s30+$0xE0]  }
0x37: {  	v27 =	vld [tilespmem:s29+$0xF0]  }
0x38: {  	v28 =	vld [tilespmem:s30+$0xF0]  }
0x39: {  	v29 =	vld [tilespmem:s30+$0xFFFFFF00]  }
0x3a: {  	v30 =	vld [tilespmem:s29+$0xFFFFFF10]  }
0x3b: {  	v31 =	vld [tilespmem:s30+$0xFFFFFF10]  }
0x3c: {  	v32 =	vld [tilespmem:s29+$0xFFFFFF80]  }
0x3d: {  	v33 =	vld [tilespmem:s29+$0x0]  }
0x3e: {  	v53 =	vld [tilespmem:s30+$0x20]  }
0x3f: {  	v34 =	vld [tilespmem:s30+$0xFFFFFF30]  }
0x40: {  	v35 =	vld [tilespmem:s30+$0xFFFFFFB0]  }
0x41: {  	v37 =	vld [tilespmem:s29+$0x30]  }
0x42: {  	v38 =	vld [tilespmem:s30+$0x30];
	v13 =	vadd.f32 v14, v13;
	v14 =	vadd.f32 v16, v15  }
0x43: {  	v54 =	vld [tilespmem:s29+$0xFFFFFF40]  }
0x44: {  	v39 =	vld [tilespmem:s30+$0xFFFFFF40];
	v17 =	vadd.f32 v18, v17;
	v13 =	vmul.f32 v13, v4;
	v14 =	vmul.f32 v14, v5  }
0x45: {  	v55 =	vld [tilespmem:s29+$0xFFFFFFC0]  }
0x46: {  	v40 =	vld [tilespmem:s30+$0xFFFFFFC0];
	v13 =	vadd.f32 v14, v13;
	v14 =	vmul.f32 v17, v6;
	v17 =	vadd.f32 v20, v19  }
0x47: {  	v56 =	vld [tilespmem:s30+$0x40]  }
0x48: {  	v57 =	vld [tilespmem:s29+$0xFFFFFF50];
	v13 =	vadd.f32 v14, v13;
	v14 =	vmul.f32 v17, v7;
	v17 =	vadd.f32 v22, v21  }
0x49: {  	v58 =	vld [tilespmem:s29+$0x50]  }
0x4a: {  	v15 =	vld [tilespmem:s30+$0xFFFFFF80];
	v13 =	vadd.f32 v14, v13;
	v14 =	vmul.f32 v17, v8;
	v17 =	vadd.f32 v24, v23  }
0x4b: {  	v16 =	vld [tilespmem:s29+$0xFFFFFF90]  }
0x4c: {  	v18 =	vld [tilespmem:s30+$0xFFFFFF90];
	v13 =	vadd.f32 v14, v13;
	v14 =	vmul.f32 v17, v9;
	v17 =	vadd.f32 v26, v25  }
0x4d: {  	v19 =	vld [tilespmem:s30+$0x0]  }
0x4e: {  	v20 =	vld [tilespmem:s29+$0x10];
	v13 =	vadd.f32 v14, v13;
	v14 =	vmul.f32 v17, v10;
	v17 =	vadd.f32 v28, v27  }
0x4f: {  	v21 =	vld [tilespmem:s30+$0x10]  }
0x50: {  	v22 =	vld [tilespmem:s29+$0xFFFFFF00];
	v13 =	vadd.f32 v14, v13;
	v14 =	vmul.f32 v17, v11  }
0x51: {  	v15 =	vadd.f32 v15, v32;
	v16 =	vadd.f32 v18, v16;
	v23 =	vld [tilespmem:s29+$0xFFFFFF20]  }
0x52: {  	v24 =	vld [tilespmem:s30+$0xFFFFFF20];
	v13 =	vadd.f32 v14, v13  }
0x53: {  	v15 =	vmul.f32 v15, v4;
	v16 =	vmul.f32 v16, v5;
	v25 =	vld [tilespmem:s29+$0xFFFFFFA0]  }
0x54: {  	v30 =	vadd.f32 v31, v30;
	v26 =	vld [tilespmem:s30+$0xFFFFFFA0];
	v36 =	vperm.xlane v13, v0  }
0x55: {  	v59 =	vld [tilespmem:s30+$0xFFFFFFE0];
	v19 =	vadd.f32 v19, v33;
	v15 =	vadd.f32 v16, v15  }
0x56: {  	v16 =	vadd.f32 v29, v22;
	v27 =	vld [tilespmem:s29+$0x20];
	v13 =	vadd.f32 v13, v36  }
0x57: {  	v20 =	vadd.f32 v21, v20;
	v21 =	vmul.f32 v30, v5;
	v19 =	vmul.f32 v19, v4;
	v17 =	vld [tilespmem:s29+$0xFFFFFF30]  }
0x58: {  	v16 =	vmul.f32 v16, v4;
	v14 =	vld [tilespmem:s29+$0xFFFFFFB0];
	v18 =	vperm.xlane v13, v1  }
0x59: {  	s31 =	simm.s32 $0x3;
	v60 =	vld [tilespmem:s29+$0x60];
	v23 =	vadd.f32 v24, v23;
	v20 =	vmul.f32 v20, v5;
	v25 =	vadd.f32 v26, v25  }
0x5a: {  	v62 =	vmov s31;
	v61 =	vld [tilespmem:s29+$0xFFFFFF70];
	v16 =	vadd.f32 v21, v16;
	v13 =	vadd.f32 v13, v18  }
0x5b: {  	v24 =	vld [tilespmem:s30+$0xFFFFFF50];
	v23 =	vmul.f32 v23, v6;
	v19 =	vadd.f32 v20, v19;
	v21 =	vadd.f32 v53, v27  }
0x5c: {  	v26 =	vld [tilespmem:s30+$0xFFFFFFD0];
	v20 =	vmul.f32 v25, v6;
	v17 =	vadd.f32 v34, v17;
	v22 =	vperm.xlane v13, v2  }
0x5d: {  	v16 =	vadd.f32 v23, v16;
	v23 =	vld [tilespmem:s29+$0xFFFFFF60];
	v21 =	vmul.f32 v21, v6;
	v14 =	vadd.f32 v35, v14  }
0x5e: {  	v15 =	vadd.f32 v20, v15;
	v17 =	vmul.f32 v17, v7;
	v18 =	vld [tilespmem:s29+$0x40];
	v13 =	vadd.f32 v13, v22  }
0x5f: {  	v19 =	vadd.f32 v21, v19;
	v21 =	vadd.f32 v38, v37;
	v14 =	vmul.f32 v14, v7;
	v22 =	vld [tilespmem:s29+$0xFFFFFFD0]  }
0x60: {  	v20 =	vld [tilespmem:s30+$0xFFFFFF60];
	v16 =	vadd.f32 v17, v16;
	v17 =	vadd.f32 v39, v54;
	v27 =	vperm.xlane v13, v3  }
0x61: {  	v32 =	vadd.f32 v40, v55;
	v25 =	vld [tilespmem:s30+$0x50];
	v21 =	vmul.f32 v21, v7;
	v14 =	vadd.f32 v14, v15  }
0x62: {  	v15 =	vmul.f32 v17, v8;
	v17 =	vadd.f32 v24, v57;
	v13 =	vadd.f32 v13, v27;
	v27 =	vld [tilespmem:s29+$0xFFFFFFE0]  }
0x63: {  	v24 =	vld [tilespmem:s30+$0x60];
	v19 =	vadd.f32 v21, v19;
	v21 =	vmul.f32 v32, v8;
	v18 =	vadd.f32 v56, v18  }
0x64: {  	v15 =	vadd.f32 v15, v16;
	v16 =	vmul.f32 v17, v9;
	v17 =	vadd.f32 v26, v22;
	v22 =	vld [tilespmem:s30+$0xFFFFFF70]  }
0x65: {  	v20 =	vadd.f32 v20, v23;
	v14 =	vadd.f32 v21, v14;
	v21 =	vld [tilespmem:s29+$0xFFFFFFF0];
	v18 =	vmul.f32 v18, v8  }
0x66: {  	v26 =	vadd.f32 v16, v15;
	v15 =	vmul.f32 v17, v9;
	v17 =	vadd.f32 v25, v58;
	v25 =	vld [tilespmem:s30+$0xFFFFFFF0]  }
0x67: {  	v20 =	vmul.f32 v20, v10;
	v18 =	vadd.f32 v18, v19;
	v16 =	vld [tilespmem:s29+$0x70];
	v23 =	vadd.f32 v59, v27  }
0x68: {  	s24 =	sadd.s32 $0x200, s29;
	v19 =	vld [tilespmem:s30+$0x70];
	v27 =	vadd.f32 v15, v14;
	v15 =	vmul.f32 v17, v9;
	v17 =	vadd.f32 v24, v60  }
0x69: {  	s25 =	sadd.s32 $0x200, s30;
	v13 =	vadd.f32 v13, v12;
	v14 =	vld [tilespmem:s24+$0x80];
	v24 =	vadd.f32 v22, v61;
	v23 =	vmul.f32 v23, v10  }
0x6a: {  	v22 =	vadd.f32 v20, v26;
	v63 =	vadd.f32 v15, v18;
	v17 =	vmul.f32 v17, v10;
	v15 =	vld [tilespmem:s25+$0x80]  }
0x6b: {  	s26 =	simm.s32 $0x0;
	v18 =	vld [tilespmem:s24+$0x90];
	v20 =	vadd.f32 v23, v27;
	v23 =	vmul.f32 v24, v11;
	v24 =	vadd.f32 v25, v21  }
0x6c: {  	s28 =	simm.s32 $0x8;
	s22 =	sadd.s32 $0xC350, s21;
	s23 =	simm.s32 $0x4;
	[tilespmem:v62+s18+$0x0] =	vst.idx.msk $0x1, v13;
	v13 =	vmov s26;
	v17 =	vadd.f32 v17, v63;
	v21 =	vld [tilespmem:s25+$0x90]  }
.LBB2_3:
0x6d: {  	p0 =	slt.u32 s28, $0xDC;
	v25 =	vld [tilespmem:s24+$0xA0];
	v22 =	vadd.f32 v23, v22;
	v23 =	vmul.f32 v24, v11;
	s29 =	sadd.s32 $0x1, s26;
	v16 =	vadd.f32 v19, v16;
	s26 =	sadd.s32 $0x2, s26  }
0x6e: {  	v13 =	vand.u32 $0xFFFFFFFC, v13;
	v19 =	vld [tilespmem:s25+$0xA0];
	v24 =	vmov s29;
	v26 =	vmov s26;
	s26 =	smov.u32 s23;
	s23 =	smov.u32 s28  }
0x6f: {  	v27 =	vld [tilespmem:s24+$0xB0];
	v28 =	vperm.xlane v22, v0;
	v20 =	vadd.f32 v23, v20;
	v16 =	vmul.f32 v16, v11  }
0x70: {  	v13 =	vbroadcast v13, $0x0;
	v24 =	vand.u32 $0xFFFFFFFD, v24;
	v26 =	vand.u32 $0xFFFFFFFE, v26;
	v23 =	vld [tilespmem:s25+$0xB0]  }
0x71: {  	v14 =	vadd.f32 v15, v14;
	v15 =	vadd.f32 v21, v18;
	v18 =	vld [tilespmem:s24+$0xC0];
	v21 =	vperm.xlane v20, v0  }
0x72: {  	v24 =	vbroadcast v24, $0x0;
	v22 =	vadd.f32 v22, v28;
	v16 =	vadd.f32 v16, v17;
	v29 =	vld [tilespmem:s25+$0xC0]  }
0x73: {  	v14 =	vmul.f32 v14, v4;
	v15 =	vmul.f32 v15, v5;
	v17 =	vadd.f32 v19, v25;
	v19 =	vld [tilespmem:s24+$0xD0]  }
0x74: {  	v28 =	vperm.xlane v22, v1;
	v20 =	vadd.f32 v20, v21;
	v21 =	vperm.xlane v16, v0;
	v25 =	vld [tilespmem:s25+$0xD0]  }
0x75: {  	v14 =	vadd.f32 v15, v14;
	v15 =	vmul.f32 v17, v6;
	v17 =	vadd.f32 v23, v27;
	v23 =	vld [tilespmem:s24+$0xE0]  }
0x76: {  	v22 =	vadd.f32 v22, v28;
	v28 =	vperm.xlane v20, v1;
	v16 =	vadd.f32 v16, v21;
	v27 =	vld [tilespmem:s25+$0xE0]  }
0x77: {  	v14 =	vadd.f32 v15, v14;
	v15 =	vmul.f32 v17, v7;
	v17 =	vadd.f32 v29, v18;
	v18 =	vld [tilespmem:s24+$0xF0]  }
0x78: {  	v29 =	vperm.xlane v22, v2;
	v20 =	vadd.f32 v20, v28;
	v28 =	vperm.xlane v16, v1;
	v21 =	vld [tilespmem:s25+$0xF0]  }
0x79: {  	v30 =	vld [tilespmem:s25+$0xFFFFFF00];
	v14 =	vadd.f32 v15, v14;
	v15 =	vmul.f32 v17, v8;
	v17 =	vadd.f32 v25, v19  }
0x7a: {  	v22 =	vadd.f32 v22, v29;
	v25 =	vperm.xlane v20, v2;
	v16 =	vadd.f32 v16, v28;
	v19 =	vld [tilespmem:s24+$0xFFFFFF10]  }
0x7b: {  	v28 =	vld [tilespmem:s25+$0xFFFFFF10];
	v14 =	vadd.f32 v15, v14;
	v15 =	vmul.f32 v17, v9;
	v17 =	vadd.f32 v27, v23  }
0x7c: {  	v27 =	vperm.xlane v22, v3;
	v20 =	vadd.f32 v20, v25;
	v25 =	vperm.xlane v16, v2;
	v23 =	vld [tilespmem:s24+$0xFFFFFF80]  }
0x7d: {  	v29 =	vld [tilespmem:s25+$0xFFFFFF80];
	v14 =	vadd.f32 v15, v14;
	v15 =	vmul.f32 v17, v10;
	v17 =	vadd.f32 v21, v18  }
0x7e: {  	v21 =	vadd.f32 v22, v27;
	v22 =	vperm.xlane v20, v3;
	v16 =	vadd.f32 v16, v25;
	v18 =	vld [tilespmem:s24+$0xFFFFFF90]  }
0x7f: {  	v25 =	vld [tilespmem:s25+$0xFFFFFF90];
	v14 =	vadd.f32 v15, v14;
	v15 =	vmul.f32 v17, v11;
	v17 =	vbroadcast v26, $0x0  }
0x80: {  	v20 =	vadd.f32 v20, v22;
	v22 =	vperm.xlane v16, v3;
	v19 =	vadd.f32 v28, v19;
	v26 =	vld [tilespmem:s24+$0x0]  }
0x81: {  	v27 =	vld [tilespmem:s25+$0x0];
	v14 =	vadd.f32 v15, v14;
	v15 =	vadd.f32 v21, v12  }
0x82: {  	v16 =	vadd.f32 v16, v22;
	v19 =	vmul.f32 v19, v5;
	v21 =	vadd.f32 v29, v23;
	v23 =	vld [tilespmem:s24+$0x10]  }
0x83: {  	v22 =	vld [tilespmem:s25+$0x10];
	v28 =	vperm.xlane v14, v0;
	[tilespmem:v13+s18+$0x0] =	vst.idx.msk $0x1, v15;
	v13 =	vadd.f32 v20, v12  }
0x84: {  	v16 =	vadd.f32 v16, v12;
	v15 =	vld [tilespmem:s24+$0xFFFFFF00];
	v20 =	vmul.f32 v21, v4;
	v18 =	vadd.f32 v25, v18  }
0x85: {  	v21 =	vld [tilespmem:s24+$0xFFFFFF20];
	v14 =	vadd.f32 v14, v28;
	[tilespmem:v24+s18+$0x0] =	vst.idx.msk $0x1, v13  }
0x86: {  	v13 =	vld [tilespmem:s25+$0xFFFFFF20];
	v18 =	vmul.f32 v18, v5;
	v24 =	vadd.f32 v27, v26;
	[tilespmem:v17+s18+$0x0] =	vst.idx.msk $0x1, v16  }
0x87: {  	v16 =	vld [tilespmem:s24+$0xFFFFFFA0];
	v17 =	vperm.xlane v14, v1  }
0x88: {  	v18 =	vadd.f32 v18, v20;
	v20 =	vld [tilespmem:s25+$0xFFFFFFA0];
	v24 =	vmul.f32 v24, v4;
	v22 =	vadd.f32 v22, v23  }
0x89: {  	v15 =	vadd.f32 v30, v15;
	v23 =	vld [tilespmem:s24+$0x20];
	v14 =	vadd.f32 v14, v17  }
0x8a: {  	v17 =	vmul.f32 v22, v5;
	v22 =	vld [tilespmem:s25+$0x20]  }
0x8b: {  	v15 =	vmul.f32 v15, v4;
	v13 =	vadd.f32 v13, v21;
	v21 =	vld [tilespmem:s24+$0xFFFFFF30];
	v25 =	vperm.xlane v14, v2  }
0x8c: {  	v26 =	vld [tilespmem:s25+$0xFFFFFF30];
	v17 =	vadd.f32 v17, v24  }
0x8d: {  	v13 =	vmul.f32 v13, v6;
	v16 =	vadd.f32 v20, v16;
	v20 =	vld [tilespmem:s24+$0xFFFFFFB0];
	v14 =	vadd.f32 v14, v25  }
0x8e: {  	v15 =	vadd.f32 v19, v15;
	v19 =	vld [tilespmem:s25+$0xFFFFFFB0]  }
0x8f: {  	s29 =	sadd.s32 $0x3, s26;
	v16 =	vmul.f32 v16, v6;
	v22 =	vadd.f32 v22, v23;
	v23 =	vld [tilespmem:s24+$0x30];
	v24 =	vperm.xlane v14, v3  }
0x90: {  	v25 =	vmov s29;
	v13 =	vadd.f32 v13, v15;
	v15 =	vld [tilespmem:s25+$0x30]  }
0x91: {  	v21 =	vadd.f32 v26, v21;
	v26 =	vld [tilespmem:s24+$0xFFFFFF40];
	v22 =	vmul.f32 v22, v6;
	v14 =	vadd.f32 v14, v24  }
0x92: {  	v16 =	vadd.f32 v16, v18;
	v24 =	vld [tilespmem:s25+$0xFFFFFF40]  }
0x93: {  	v18 =	vmul.f32 v21, v7;
	v19 =	vadd.f32 v19, v20;
	v20 =	vld [tilespmem:s24+$0xFFFFFFC0];
	v14 =	vadd.f32 v14, v12  }
0x94: {  	v17 =	vadd.f32 v22, v17;
	v21 =	vld [tilespmem:s25+$0xFFFFFFC0]  }
0x95: {  	v19 =	vmul.f32 v19, v7;
	v15 =	vadd.f32 v15, v23;
	v22 =	vld [tilespmem:s24+$0x40];
	[tilespmem:v25+s18+$0x0] =	vst.idx.msk $0x1, v14  }
0x96: {  	v13 =	vadd.f32 v18, v13;
	v14 =	vld [tilespmem:s25+$0x40]  }
0x97: {  	v18 =	vadd.f32 v24, v26;
	v23 =	vld [tilespmem:s24+$0xFFFFFF50];
	v16 =	vadd.f32 v19, v16;
	v15 =	vmul.f32 v15, v7  }
0x98: {  	v19 =	vld [tilespmem:s25+$0xFFFFFF50]  }
0x99: {  	v18 =	vmul.f32 v18, v8;
	v20 =	vadd.f32 v21, v20;
	v21 =	vld [tilespmem:s24+$0xFFFFFFD0];
	v15 =	vadd.f32 v15, v17  }
0x9a: {  	v17 =	vld [tilespmem:s25+$0xFFFFFFD0]  }
0x9b: {  	v13 =	vadd.f32 v18, v13;
	v18 =	vmul.f32 v20, v8;
	v14 =	vadd.f32 v14, v22;
	v20 =	vld [tilespmem:s24+$0x50]  }
0x9c: {  	v22 =	vld [tilespmem:s25+$0x50]  }
0x9d: {  	v19 =	vadd.f32 v19, v23;
	v23 =	vld [tilespmem:s24+$0xFFFFFF60];
	v16 =	vadd.f32 v18, v16;
	v14 =	vmul.f32 v14, v8  }
0x9e: {  	v18 =	vld [tilespmem:s25+$0xFFFFFF60]  }
0x9f: {  	v19 =	vmul.f32 v19, v9;
	v17 =	vadd.f32 v17, v21;
	v21 =	vld [tilespmem:s24+$0xFFFFFFE0];
	v14 =	vadd.f32 v14, v15  }
0xa0: {  	v15 =	vld [tilespmem:s25+$0xFFFFFFE0]  }
0xa1: {  	v13 =	vadd.f32 v19, v13;
	v17 =	vmul.f32 v17, v9;
	v19 =	vadd.f32 v22, v20;
	v20 =	vld [tilespmem:s24+$0x60]  }
0xa2: {  	v24 =	vld [tilespmem:s25+$0x60]  }
0xa3: {  	v18 =	vadd.f32 v18, v23;
	v23 =	vld [tilespmem:s24+$0xFFFFFF70];
	v17 =	vadd.f32 v17, v16;
	v16 =	vmul.f32 v19, v9  }
0xa4: {  	v25 =	vld [tilespmem:s25+$0xFFFFFF70]  }
0xa5: {  	v18 =	vmul.f32 v18, v10;
	v15 =	vadd.f32 v15, v21;
	v21 =	vld [tilespmem:s24+$0xFFFFFFF0];
	v26 =	vadd.f32 v16, v14  }
0xa6: {  	v27 =	vld [tilespmem:s25+$0xFFFFFFF0]  }
0xa7: {  	v22 =	vadd.f32 v18, v13;
	v13 =	vmul.f32 v15, v10;
	v15 =	vadd.f32 v24, v20;
	v16 =	vld [tilespmem:s24+$0x70]  }
.Ltmp0:
0xa8: {  	s24 =	sadd.s32 $0x200, s24;
	v19 =	vld [tilespmem:s25+$0x70];
	(pc) =	sbr.rel @p0 .LBB2_3-.Ltmp0, $4  }
0xa9: {  	s25 =	sadd.s32 $0x200, s25;
	v14 =	vld [tilespmem:s24+$0x80];
	v23 =	vadd.f32 v25, v23;
	v20 =	vadd.f32 v13, v17;
	v13 =	vmul.f32 v15, v10  }
0xaa: {  	v15 =	vld [tilespmem:s25+$0x80]  }
0xab: {  	v18 =	vld [tilespmem:s24+$0x90];
	v23 =	vmul.f32 v23, v11;
	v24 =	vadd.f32 v27, v21;
	v17 =	vadd.f32 v13, v26  }
0xac: {  	s28 =	sadd.s32 $0x4, s28;
	v13 =	vmov s26;
	v21 =	vld [tilespmem:s25+$0x90]  }
0xad: {  	v25 =	vld [tilespmem:s24+$0xA0]  }
0xae: {  	v26 =	vld [tilespmem:s25+$0xA0]  }
0xaf: {  	v27 =	vld [tilespmem:s24+$0xB0]  }
0xb0: {  	v28 =	vld [tilespmem:s25+$0xB0]  }
0xb1: {  	v29 =	vld [tilespmem:s24+$0xC0]  }
0xb2: {  	v30 =	vld [tilespmem:s25+$0xC0]  }
0xb3: {  	v31 =	vld [tilespmem:s24+$0xD0]  }
0xb4: {  	v32 =	vld [tilespmem:s25+$0xD0]  }
0xb5: {  	v33 =	vld [tilespmem:s24+$0xE0]  }
0xb6: {  	v34 =	vld [tilespmem:s25+$0xE0]  }
0xb7: {  	v35 =	vld [tilespmem:s24+$0xF0]  }
0xb8: {  	v36 =	vld [tilespmem:s25+$0xF0]  }
0xb9: {  	v37 =	vld [tilespmem:s25+$0xFFFFFF00]  }
0xba: {  	v38 =	vld [tilespmem:s24+$0xFFFFFF10]  }
0xbb: {  	v39 =	vld [tilespmem:s25+$0xFFFFFF10]  }
0xbc: {  	v40 =	vld [tilespmem:s24+$0xFFFFFF80]  }
0xbd: {  	v41 =	vld [tilespmem:s25+$0xFFFFFF80]  }
0xbe: {  	v42 =	vld [tilespmem:s24+$0xFFFFFF90]  }
0xbf: {  	v43 =	vld [tilespmem:s25+$0xFFFFFF90]  }
0xc0: {  	v44 =	vld [tilespmem:s24+$0x0]  }
0xc1: {  	v45 =	vld [tilespmem:s25+$0x0]  }
0xc2: {  	v16 =	vadd.f32 v19, v16;
	v19 =	vld [tilespmem:s24+$0x10]  }
0xc3: {  	v53 =	vmul.f32 v24, v11;
	v24 =	vld [tilespmem:s25+$0x10]  }
0xc4: {  	v22 =	vadd.f32 v23, v22;
	v23 =	vld [tilespmem:s24+$0xFFFFFF00]  }
0xc5: {  	v47 =	vld [tilespmem:s25+$0xFFFFFFA0]  }
0xc6: {  	v48 =	vld [tilespmem:s24+$0xFFFFFF40]  }
0xc7: {  	v49 =	vld [tilespmem:s25+$0xFFFFFF40]  }
0xc8: {  	v51 =	vld [tilespmem:s24+$0xFFFFFFC0]  }
0xc9: {  	v46 =	vperm.xlane v22, v0;
	v20 =	vadd.f32 v53, v20;
	v16 =	vmul.f32 v16, v11;
	v53 =	vld [tilespmem:s25+$0xFFFFFFC0]  }
0xca: {  	v14 =	vadd.f32 v15, v14;
	v15 =	vadd.f32 v21, v18;
	v18 =	vld [tilespmem:s24+$0xFFFFFF20]  }
0xcb: {  	v13 =	vand.u32 $0xFFFFFFFC, v13;
	v22 =	vadd.f32 v22, v46;
	v16 =	vadd.f32 v16, v17;
	v17 =	vld [tilespmem:s25+$0xFFFFFF20]  }
0xcc: {  	v13 =	vbroadcast v13, $0x0;
	v21 =	vld [tilespmem:s25+$0x20];
	v25 =	vadd.f32 v26, v25;
	v56 =	vadd.f32 v28, v27  }
0xcd: {  	v54 =	vperm.xlane v20, v0;
	v26 =	vld [tilespmem:s24+$0xFFFFFFA0];
	v58 =	vadd.f32 v30, v29;
	v31 =	vadd.f32 v32, v31  }
0xce: {  	v14 =	vmul.f32 v14, v4;
	v27 =	vld [tilespmem:s24+$0x20];
	v33 =	vadd.f32 v34, v33;
	v62 =	vadd.f32 v41, v40  }
0xcf: {  	v29 =	vld [tilespmem:s24+$0xFFFFFF30];
	v38 =	vadd.f32 v39, v38;
	v23 =	vadd.f32 v37, v23;
	v15 =	vmul.f32 v15, v5  }
0xd0: {  	v28 =	vld [tilespmem:s25+$0xFFFFFF30];
	v19 =	vadd.f32 v24, v19;
	v46 =	vperm.xlane v22, v1;
	v55 =	vperm.xlane v16, v0  }
0xd1: {  	v32 =	vld [tilespmem:s25+$0xFFFFFFB0];
	v52 =	vadd.f32 v45, v44;
	v31 =	vmul.f32 v31, v9;
	v34 =	vmul.f32 v62, v4  }
0xd2: {  	v30 =	vld [tilespmem:s25+$0x30];
	v20 =	vadd.f32 v20, v54;
	v23 =	vmul.f32 v23, v4;
	v19 =	vmul.f32 v19, v5  }
0xd3: {  	v39 =	vld [tilespmem:s25+$0x50];
	v33 =	vmul.f32 v33, v10;
	v14 =	vadd.f32 v15, v14;
	v22 =	vadd.f32 v22, v46  }
0xd4: {  	v44 =	vld [tilespmem:s24+$0xFFFFFF60];
	v15 =	vmul.f32 v25, v6;
	v16 =	vadd.f32 v16, v55;
	v46 =	vadd.f32 v43, v42  }
0xd5: {  	v45 =	vld [tilespmem:s25+$0xFFFFFF60];
	v57 =	vperm.xlane v20, v1;
	v43 =	vadd.f32 v49, v48;
	v17 =	vadd.f32 v17, v18  }
0xd6: {  	v54 =	vld [tilespmem:s24+$0x40];
	v14 =	vadd.f32 v15, v14;
	v15 =	vmul.f32 v56, v7;
	v59 =	vperm.xlane v22, v2  }
0xd7: {  	v25 =	vld [tilespmem:s24+$0xFFFFFFB0];
	v20 =	vadd.f32 v20, v57;
	v60 =	vperm.xlane v16, v1;
	v50 =	vmul.f32 v46, v5  }
0xd8: {  	v55 =	vld [tilespmem:s25+$0x40];
	v56 =	vmul.f32 v38, v5;
	v26 =	vadd.f32 v47, v26;
	v21 =	vadd.f32 v21, v27  }
0xd9: {  	v48 =	vld [tilespmem:s25+$0xFFFFFFE0];
	v28 =	vadd.f32 v28, v29;
	v46 =	vadd.f32 v53, v51;
	v17 =	vmul.f32 v17, v6  }
0xda: {  	v57 =	vld [tilespmem:s24+$0xFFFFFF50];
	v14 =	vadd.f32 v15, v14;
	v15 =	vmul.f32 v58, v8;
	v22 =	vadd.f32 v22, v59  }
0xdb: {  	v38 =	vld [tilespmem:s24+$0x50];
	v61 =	vperm.xlane v20, v2;
	v16 =	vadd.f32 v16, v60;
	v34 =	vadd.f32 v50, v34  }
0xdc: {  	v47 =	vld [tilespmem:s24+$0xFFFFFFE0];
	v58 =	vmul.f32 v52, v4;
	v23 =	vadd.f32 v56, v23;
	v60 =	vmul.f32 v26, v6  }
0xdd: {  	v51 =	vld [tilespmem:s25+$0x60];
	v21 =	vmul.f32 v21, v6;
	v25 =	vadd.f32 v32, v25;
	v18 =	vadd.f32 v55, v54  }
0xde: {  	v53 =	vld [tilespmem:s24+$0xFFFFFF70];
	v28 =	vmul.f32 v28, v7;
	v14 =	vadd.f32 v15, v14;
	v20 =	vadd.f32 v20, v61  }
0xdf: {  	v59 =	vld [tilespmem:s25+$0xFFFFFF50];
	v63 =	vperm.xlane v22, v3;
	v19 =	vadd.f32 v19, v58;
	v17 =	vadd.f32 v17, v23  }
0xe0: {  	v49 =	vmul.f32 v46, v8;
	v50 =	vld [tilespmem:s24+$0x60];
	v14 =	vadd.f32 v31, v14;
	v31 =	vadd.f32 v36, v35  }
0xe1: {  	v55 =	vld [tilespmem:s25+$0xFFFFFF70];
	v25 =	vmul.f32 v25, v7;
	v22 =	vadd.f32 v22, v63;
	v63 =	vadd.f32 v60, v34  }
0xe2: {  	v15 =	vld [tilespmem:s24+$0x30];
	v18 =	vmul.f32 v18, v8;
	v19 =	vadd.f32 v21, v19;
	v17 =	vadd.f32 v28, v17  }
0xe3: {  	v62 =	vld [tilespmem:s25+$0xFFFFFFD0];
	v21 =	vadd.f32 v39, v38;
	v28 =	vadd.f32 v45, v44;
	v34 =	vperm.xlane v16, v2  }
0xe4: {  	v56 =	vld [tilespmem:s24+$0xFFFFFFF0];
	v35 =	vperm.xlane v20, v3;
	v27 =	vadd.f32 v59, v57;
	v14 =	vadd.f32 v33, v14  }
0xe5: {  	v61 =	vld [tilespmem:s24+$0xFFFFFFD0];
	v23 =	vadd.f32 v25, v63;
	v54 =	vmul.f32 v31, v11;
	v57 =	vmul.f32 v21, v9  }
0xe6: {  	s31 =	sadd.s32 $0x1, s26;
	s26 =	sadd.s32 $0x2, s26;
	v58 =	vld [tilespmem:s25+$0xFFFFFFF0];
	v59 =	vmul.f32 v28, v10;
	v25 =	vadd.f32 v48, v47;
	v63 =	vadd.f32 v51, v50  }
0xe7: {  	v33 =	vmov s26;
	v24 =	vadd.f32 v55, v53;
	v15 =	vadd.f32 v30, v15  }
0xe8: {  	v16 =	vadd.f32 v16, v34;
	v40 =	vadd.f32 v20, v35;
	v30 =	vmul.f32 v43, v8  }
0xe9: {  	v60 =	vld [tilespmem:s24+$0x70];
	v22 =	vadd.f32 v22, v12;
	v50 =	vmov s23;
	v15 =	vmul.f32 v15, v7  }
0xea: {  	v52 =	vadd.f32 v62, v61;
	v27 =	vmul.f32 v27, v9;
	v61 =	vld [tilespmem:s25+$0x70];
	v17 =	vadd.f32 v30, v17  }
0xeb: {  	v62 =	vmov s31;
	v21 =	vadd.f32 v58, v56;
	v15 =	vadd.f32 v15, v19  }
0xec: {  	v19 =	vadd.f32 v49, v23;
	v23 =	vmul.f32 v52, v9;
	v17 =	vadd.f32 v27, v17  }
0xed: {  	v29 =	vand.u32 $0xFFFFFFFE, v33;
	v25 =	vmul.f32 v25, v10;
	v15 =	vadd.f32 v18, v15  }
0xee: {  	v28 =	vmul.f32 v63, v10;
	v19 =	vadd.f32 v23, v19;
	v17 =	vadd.f32 v59, v17  }
0xef: {  	v24 =	vmul.f32 v24, v11;
	v18 =	vadd.f32 v61, v60;
	v15 =	vadd.f32 v57, v15  }
0xf0: {  	v14 =	vadd.f32 v54, v14;
	v21 =	vmul.f32 v21, v11;
	v19 =	vadd.f32 v25, v19  }
0xf1: {  	s30 =	sadd.s32 $0x2, s23;
	v17 =	vadd.f32 v24, v17;
	v18 =	vmul.f32 v18, v11;
	v15 =	vadd.f32 v28, v15  }
0xf2: {  	v56 =	vmov s30;
	v36 =	vperm.xlane v14, v0;
	v19 =	vadd.f32 v21, v19  }
0xf3: {  	v38 =	vbroadcast v29, $0x0;
	v39 =	vperm.xlane v17, v0;
	v15 =	vadd.f32 v18, v15  }
0xf4: {  	s29 =	sadd.s32 $0x1, s23;
	v42 =	vperm.xlane v16, v3;
	v14 =	vadd.f32 v14, v36;
	v41 =	vperm.xlane v19, v0  }
0xf5: {  	v54 =	vmov s29;
	v17 =	vadd.f32 v17, v39;
	v43 =	vperm.xlane v15, v0  }
0xf6: {  	s28 =	sadd.s32 $0x3, s23;
	v16 =	vadd.f32 v16, v42;
	v37 =	vperm.xlane v14, v1;
	v19 =	vadd.f32 v19, v41  }
0xf7: {  	v49 =	vmov s28;
	v45 =	vperm.xlane v17, v1;
	v15 =	vadd.f32 v15, v43  }
0xf8: {  	v52 =	vand.u32 $0xFFFFFFFC, v50;
	v14 =	vadd.f32 v14, v37;
	v46 =	vperm.xlane v19, v1  }
0xf9: {  	v16 =	vadd.f32 v16, v12;
	v17 =	vadd.f32 v17, v45;
	v47 =	vperm.xlane v15, v1  }
0xfa: {  	v20 =	vbroadcast v52, $0x0;
	v44 =	vperm.xlane v14, v2;
	v19 =	vadd.f32 v19, v46  }
0xfb: {  	v23 =	vand.u32 $0xFFFFFFFD, v62;
	v51 =	vperm.xlane v17, v2;
	v15 =	vadd.f32 v15, v47  }
0xfc: {  	v59 =	vand.u32 $0xFFFFFFFE, v56;
	v14 =	vadd.f32 v14, v44;
	v53 =	vperm.xlane v19, v2  }
0xfd: {  	v23 =	vbroadcast v23, $0x0;
	v17 =	vadd.f32 v17, v51;
	v55 =	vperm.xlane v15, v2  }
0xfe: {  	v61 =	vbroadcast v59, $0x0;
	v48 =	vperm.xlane v14, v3;
	v19 =	vadd.f32 v19, v53  }
0xff: {  	v57 =	vand.u32 $0xFFFFFFFD, v54;
	v58 =	vperm.xlane v17, v3;
	v15 =	vadd.f32 v15, v55  }
0x100: {  	[tilespmem:v13+s18+$0x0] =	vst.idx.msk $0x1, v22;
	v24 =	vbroadcast v57, $0x0;
	v14 =	vadd.f32 v14, v48;
	v60 =	vperm.xlane v19, v3  }
0x101: {  	v18 =	vadd.f32 v40, v12;
	v13 =	vadd.f32 v17, v58;
	v62 =	vperm.xlane v15, v3  }
0x102: {  	[tilespmem:v38+s18+$0x0] =	vst.idx.msk $0x1, v16;
	v14 =	vadd.f32 v14, v12;
	v63 =	vadd.f32 v19, v60  }
0x103: {  	[tilespmem:v23+s18+$0x0] =	vst.idx.msk $0x1, v18;
	v13 =	vadd.f32 v13, v12;
	v15 =	vadd.f32 v15, v62  }
0x104: {  	[tilespmem:v49+s18+$0x0] =	vst.idx.msk $0x1, v14;
	v14 =	vadd.f32 v63, v12  }
0x105: {  	[tilespmem:v20+s18+$0x0] =	vst.idx.msk $0x1, v13;
	v13 =	vadd.f32 v15, v12  }
0x106: {  	s21 =	sshrl.u32 s21, $0x3;
	[tilespmem:v24+s18+$0x0] =	vst.idx.msk $0x1, v14  }
0x107: {  	s21 =	sadd.s32 s4, s21;
	[tilespmem:v61+s18+$0x0] =	vst.idx.msk $0x1, v13  }
0x108: {  	[hbm4b:s21+s5] =	stream.linear.scatter [tilespmem:s18], [sflag:$0x3], $0xE0, $0x38;
	[tilespmem:$0x1C200] =	vst v63  }
0x109: {  	s20 =	sadd.s32 $0x1, s20;
	_ =	swait.ge [sflag:s13], $0xE0  }
0x10a: {  	p0 =	sne.s32 s20, $0x7;
	s31 =	sshrl.u32 s22, $0x3;
	[sflag:s13] =	ssyncset.done $0x0  }
.Ltmp1:
0x10b: {  	s21 =	sadd.s32 s4, s31;
	[sflag:s13] =	ssyncadd.s32 $0xFFFFFF20;
	(pc) =	sbr.rel @p0 .LBB2_2-.Ltmp1, $4  }
0x10c: {  	[hbm4b:s21+s5] =	stream.linear.scatter [tilespmem:s18], [sflag:$0x3], $0xE0, $0x38;
	[tilespmem:$0x1C200] =	vst v63  }
0x10d: {  	_ =	swait.ge [sflag:s13], $0xE0  }
0x10e: {  	[sflag:s13] =	ssyncset.done $0x0  }
0x10f: {  	[sflag:s13] =	ssyncadd.s32 $0xFFFFFF20  }
0x110: {  	s19 =	sadd.s32 $0x1, s19  }
0x111: {  	p0 =	sne.s32 s19, s11  }
.Ltmp2:
0x112: {  	_ = 	snop;
	(pc) =	sbr.rel @p0 .LBB2_1-.Ltmp2, $1  }
0x113: {  	_ =	sdelay $0x3  }
0x114: {  	_ =	sfence.sel $0x180000  }
0x115: {  	[bflag:$0x0] =	sbarrier.arrive $0xFFFF  }
0x116: {  	p0 =	sne.s32 s0, $0x0;
	_ =	strace $0x90000047  }
0x117: {  	s0 =	sadd.s32 @!p0 $0x100000, s3;
	[bflag:$0x2] =	sbarrier.arrive $0xFFFF  }
0x118: {  	[sflag:s0] =	ssyncadd.tile.s32 @!p0 $0x1;
	_ =	shalt  }
.Lfunc_end2:
_tile_overlayer_lowered:
.L_overlay_start_2:
0x119: {  	(tag) =	ssettag $0x2  }
0x11a: {  	s0 =	rddreg [dreg:$0x0];
	s2 =	stileid.u32  }
0x11b: {  	s1 =	rddreg [dreg:$0x1];
	p0 =	sne.s32 s2, $0x0  }
0x11c: {  	s3 =	rddreg [dreg:$0x2];
	[bflag:$0x3] =	sbarrier.arrive $0xFFFF;
	s2 =	simm.s32 @!p0 $0x1C03  }
0x11d: {  	[timem:s3], [sflag:s2] =	dma.local @!p0 [hbm:s0], s1  }
0x11e: {  	s0 =	simm.s32 @!p0 $0x3  }
0x11f: {  	_ =	swait.ge @!p0 [sflag:s0], s1  }
0x120: {  	s1 =	ssub.s32 @!p0 $0x0, s1;
	[sflag:s0] =	ssyncset.done @!p0 $0x0  }
0x121: {  	[sflag:s0] =	ssyncadd.s32 @!p0 s1  }
0x122: {  	[bflag:$0x3] =	sbarrier.arrive $0xFFFF  }
0x123: {  	_ =	shalt  }

</sc_bundles>
